<compile_context>
chip_gen: v7x
topology: tpu7x:2x2x1
jax: 0.10.2.dev20260603
libtpu: 0.0.44.dev20260713+nightly
codegen_flags: <defaults>
</compile_context>

<pallas_src>
import functools

import jax
import jax.numpy as jnp
from jax import lax
from jax.experimental import pallas as pl
from jax.experimental.pallas import tpu as pltpu
from jax.experimental.pallas import tpu_sc as plsc

_TAU = 0.9
_TOP_P = 0.8
_TB = 2048
_NW = 32


def _gate_body(p_ref, w_ref, cb_ref, fcw_ref, fcb_ref, o_ref, acc_ref):
    h = pl.program_id(1)
    w = w_ref[...]
    cb = cb_ref[...]

    parts = []
    for v in range(8):
        x = p_ref[:, v, :]
        hc = jax.lax.dot_general(
            w, x, (((1,), (0,)), ((), ())),
            preferred_element_type=jnp.float32)
        parts.append(jnp.maximum(hc + cb, 0.0))
    s8 = ((parts[0] + parts[1]) + (parts[2] + parts[3])) + \
         ((parts[4] + parts[5]) + (parts[6] + parts[7]))

    @pl.when(h == 0)
    def _init():
        acc_ref[...] = s8

    @pl.when(h > 0)
    def _acc():
        acc_ref[...] = acc_ref[...] + s8

    @pl.when(h == pl.num_programs(1) - 1)
    def _finish():
        pooled = acc_ref[...] * (1.0 / 64.0)
        o_ref[...] = jax.lax.dot_general(
            pooled, fcw_ref[...], (((0,), (1,)), ((), ())),
            preferred_element_type=jnp.float32) + fcb_ref[...]


def _route_body(lg_hbm, out_hbm, lg_v, out_v):
    n_tok = out_hbm.shape[0]
    per_w = n_tok // _NW
    wid = lax.axis_index("s") * 2 + lax.axis_index("c")
    base = wid * per_w
    pltpu.sync_copy(lg_hbm.at[pl.ds(base, per_w)], lg_v)

    lanes = lax.iota(jnp.int32, 16)
    _dnums = lax.GatherDimensionNumbers(
        offset_dims=(), collapsed_slice_dims=(0,), start_index_map=(0,))

    def bcast(x, k):
        return lax.gather(
            x, jnp.full((16, 1), k, jnp.int32), _dnums, (1,),
            mode=lax.GatherScatterMode.PROMISE_IN_BOUNDS)

    def route_one(t):
        col = lg_v[t]
        srt_l, idx = plsc.sort_key_val(col, lanes, descending=True)
        bmax = bcast(srt_l, 0)
        es = jnp.exp((srt_l - bmax) * (1.0 / _TAU))
        cs = plsc.cumsum(es)
        btot = bcast(cs, 15)
        keep = (cs <= _TOP_P * btot) | (lanes < 1)
        m = jnp.where(keep, es, jnp.float32(0.0))
        bden = bcast(plsc.cumsum(m), 15)
        o = m / bden
        _, o_orig = plsc.sort_key_val(idx, o)
        out_v[t] = o_orig

    def tok(u, carry):
        for j in range(4):
            route_one(u * 4 + j)
        return carry

    lax.fori_loop(0, per_w // 4, tok, 0)
    pltpu.sync_copy(out_v, out_hbm.at[pl.ds(base, per_w)])


def kernel(patch, conv_w, conv_b, fc_w, fc_b, layer_idx, threshold):
    del layer_idx, threshold
    n_tok = patch.shape[0]
    q = patch.transpose(1, 2, 3, 0).reshape(196, 64, n_tok)

    grid = (n_tok // _TB, 8)
    logits = pl.pallas_call(
        _gate_body,
        grid=grid,
        in_specs=[
            pl.BlockSpec((196, 8, _TB), lambda tb, h: (0, h, tb)),
            pl.BlockSpec((128, 196), lambda tb, h: (0, 0)),
            pl.BlockSpec((128, 1), lambda tb, h: (0, 0)),
            pl.BlockSpec((16, 128), lambda tb, h: (0, 0)),
            pl.BlockSpec((1, 16), lambda tb, h: (0, 0)),
        ],
        out_specs=pl.BlockSpec((_TB, 16), lambda tb, h: (tb, 0)),
        out_shape=jax.ShapeDtypeStruct((n_tok, 16), jnp.float32),
        scratch_shapes=[pltpu.VMEM((128, _TB), jnp.float32)],
    )(q, conv_w, conv_b.reshape(128, 1), fc_w, fc_b.reshape(1, 16))

    per_w = n_tok // _NW
    route = functools.partial(
        pl.kernel,
        mesh=plsc.VectorSubcoreMesh(core_axis_name="c", subcore_axis_name="s"),
        compiler_params=pltpu.CompilerParams(needs_layout_passes=False),
        out_type=jax.ShapeDtypeStruct((n_tok, 16), jnp.float32),
        scratch_types=[
            pltpu.VMEM((per_w, 16), jnp.float32),
            pltpu.VMEM((per_w, 16), jnp.float32),
        ],
    )(_route_body)
    return route(logits)

# --- scband reference (transcript-rebuilt; emitter-appended) ---
"""Pipeline reference for scband-router-7284264534081 (READ-ONLY COPY).

The authoritative reference and input builder live on the scoring server;
editing this copy changes nothing except your own understanding.
"""

import jax, jax.numpy as jnp
import numpy as np


def setup_inputs(seed: int = 0) -> dict:
    key = jax.random.key(seed)
    k1, k2, k3, k4 = jax.random.split(key, 4)
    patch = jax.random.normal(k1, (4096, 196, 8, 8), dtype=jnp.float32)
    conv_w = jax.random.normal(k2, (128, 196), dtype=jnp.float32) * (1.0 / np.sqrt(196))
    conv_b = jnp.zeros((128,), dtype=jnp.float32)
    fc_w = jax.random.normal(k3, (16, 128), dtype=jnp.float32) * (1.0 / np.sqrt(128))
    fc_b = jnp.zeros((16,), dtype=jnp.float32)
    return {"patch": patch, "conv_w": conv_w, "conv_b": conv_b, "fc_w": fc_w, "fc_b": fc_b, "layer_idx": 0, "threshold": 0}


def _top_p_mask(weights, p, min_k):
    # sort descending
    idx = jnp.argsort(-weights, axis=-1)
    w_sorted = jnp.take_along_axis(weights, idx, axis=-1)
    cumsum = jnp.cumsum(w_sorted, axis=-1)
    rank = jnp.arange(weights.shape[-1]).reshape((1,) * (weights.ndim - 1) + (-1,))
    keep_sorted = ((cumsum <= p) | (rank < min_k)).astype(weights.dtype)
    # scatter keep flags back to original expert positions (inverse permutation)
    inv = jnp.argsort(idx, axis=-1)
    mask = jnp.take_along_axis(keep_sorted, inv, axis=-1)
    return mask


def reference(patch, conv_w, conv_b, fc_w, fc_b, layer_idx, threshold):
    # RouterGate(in_channels=196, proj_channel=128, num_experts=16):
    # 1x1 conv projection -> ReLU -> global avg pool -> linear to expert logits
    x = jnp.einsum('bchw,oc->bohw', patch, conv_w) + conv_b[None, :, None, None]
    x = jax.nn.relu(x)
    pooled = jnp.mean(x, axis=(2, 3))
    logits = pooled @ fc_w.T + fc_b
    # eval-mode routing (validation_mode): tau=0.9, top-p=0.8, min_k=1
    val_tau = 0.9
    val_p = 0.8
    probs = jax.nn.softmax(logits / val_tau, axis=-1)
    mask = _top_p_mask(probs, val_p, 1)
    masked = probs * mask
    denom = jnp.clip(jnp.sum(masked, axis=-1, keepdims=True), 1e-10, None)
    weights_norm = masked / denom
    return weights_norm

if __name__ == "__main__":
    import jax
    _d = setup_inputs()
    print(jax.jit(kernel)(*tuple(_d.values())))

</pallas_src>

<mosaic_0001>
#map = affine_map<(d0, d1) -> (0, 0)>
module attributes {stable_mosaic.version = 14 : i64} {
  func.func @_route_body(%arg0: i32, %arg1: i32, %arg2: memref<4096x16xf32, #tpu.memory_space<hbm>>, %arg3: memref<4096x16xf32, #tpu.memory_space<hbm>>, %arg4: memref<128x16xf32, #tpu.memory_space<vmem>>, %arg5: memref<128x16xf32, #tpu.memory_space<vmem>>) attributes {dimension_semantics = [#tpu.dimension_semantics<core_parallel>, #tpu.dimension_semantics<subcore_parallel>], iteration_bounds = array<i64: 2, 16>, scalar_prefetch = 0 : i64, scratch_operands = 2 : i64, tpu.core_type = #tpu.core_type<sc_vector_subcore>, window_params = [{transform_indices = #map}, {transform_indices = #map}]} {
    %mul3A = arith.constant 2 : i32
    %mul3A_0 = arith.muli %arg1, %mul3A : i32
    %add3A = arith.addi %mul3A_0, %arg0 : i32
    %mul3A_1 = arith.constant 128 : i32
    %mul3A_2 = arith.muli %add3A, %mul3A_1 : i32
    "tpu.region"() ({
      %run_scoped3A = tpu.sem_alloc : memref<!tpu.dma_semaphore, #tpu.memory_space<semaphore_mem>>
      %dma_start3A = arith.constant 0 : i32
      %dma_start3A_8 = tpu.memref_slice %arg2[%mul3A_2, %dma_start3A] : memref<4096x16xf32, #tpu.memory_space<hbm>> -> memref<128x16xf32, #tpu.memory_space<hbm>>
      %dma_start3A_9 = arith.constant 0 : i32
      %dma_start3A_10 = tpu.memref_slice %arg2[%mul3A_2, %dma_start3A_9] : memref<4096x16xf32, #tpu.memory_space<hbm>> -> memref<128x16xf32, #tpu.memory_space<hbm>>
      tpu.enqueue_dma source(%dma_start3A_10 : memref<128x16xf32, #tpu.memory_space<hbm>>) target(%arg4 : memref<128x16xf32, #tpu.memory_space<vmem>>) target_semaphore(%run_scoped3A : memref<!tpu.dma_semaphore, #tpu.memory_space<semaphore_mem>>)
      %dma_wait3A = arith.constant 0 : i32
      %dma_wait3A_11 = tpu.memref_slice %arg2[%mul3A_2, %dma_wait3A] : memref<4096x16xf32, #tpu.memory_space<hbm>> -> memref<128x16xf32, #tpu.memory_space<hbm>>
      %dma_wait3A_12 = arith.constant 0 : i32
      %dma_wait3A_13 = tpu.memref_slice %arg2[%mul3A_2, %dma_wait3A_12] : memref<4096x16xf32, #tpu.memory_space<hbm>> -> memref<128x16xf32, #tpu.memory_space<hbm>>
      tpu.wait_dma2 semaphore(%run_scoped3A : memref<!tpu.dma_semaphore, #tpu.memory_space<semaphore_mem>>) src(%dma_wait3A_13 : memref<128x16xf32, #tpu.memory_space<hbm>>) dst(%arg4 : memref<128x16xf32, #tpu.memory_space<vmem>>)
      tpu.yield
    }) : () -> ()
    %iota3A = tpu.iota {dimensions = array<i32: 0>} : vector<16xi32>
    %scan3A = arith.constant 0 : i32
    %scan3A_3 = arith.constant 0 : i32
    %scan3A_4 = arith.constant 32 : i32
    %scan3A_5 = arith.addi %scan3A_3, %scan3A_4 : i32
    %scan3A_6 = arith.constant 1 : i32
    scf.for %scan3A_8 = %scan3A_3 to %scan3A_5 step %scan3A_6  : i32 {
      %mul3A_9 = arith.constant 4 : i32
      %mul3A_10 = arith.muli %scan3A_8, %mul3A_9 : i32
      %add3A_11 = arith.constant 0 : i32
      %add3A_12 = arith.addi %mul3A_10, %add3A_11 : i32
      %get3A = arith.index_cast %add3A_12 : i32 to index
      %get3A_13 = arith.constant 0 : index
      %get3A_14 = tpu.vector_load %arg4[%get3A, %get3A_13] {strides = array<i32>} : memref<128x16xf32, #tpu.memory_space<vmem>>, vector<16xf32>,
      %masked_sort3A = arith.constant dense<true> : vector<16xi1>
      %masked_sort3A_15, %masked_sort3A_16, %masked_sort3A_17 = tpu.sort %get3A_14, %iota3A masked %masked_sort3A {descending = true} : (vector<16xf32>, vector<16xi32>, vector<16xi1>) -> (vector<16xi1>, vector<16xf32>, vector<16xi32>)
      %broadcast_in_dim3A = arith.constant 0 : i32
      %broadcast_in_dim3A_18 = vector.broadcast %broadcast_in_dim3A : i32 to vector<16x1xi32>
      %gather3A = vector.shape_cast %broadcast_in_dim3A_18 : vector<16x1xi32> to vector<16xi32>
      %gather3A_19 = tpu.dynamic_gather %masked_sort3A_16[%gather3A] in [0] : vector<16xf32>, vector<16xi32> -> vector<16xf32>
      %sub3A = arith.subf %masked_sort3A_16, %gather3A_19 : vector<16xf32>
      %mul3A_20 = arith.constant 1.11111116 : f32
      %mul3A_21 = vector.broadcast %mul3A_20 : f32 to vector<16xf32>
      %mul3A_22 = arith.mulf %sub3A, %mul3A_21 : vector<16xf32>
      %exp3A = math.exp %mul3A_22 : vector<16xf32>
      %broadcast_in_dim3A_23 = arith.constant true
      %broadcast_in_dim3A_24 = vector.broadcast %broadcast_in_dim3A_23 : i1 to vector<16xi1>
      %masked_cumsum3A = tpu.scan <sum>, %exp3A masked %broadcast_in_dim3A_24 : vector<16xf32>, vector<16xi1> -> vector<16xf32>
      %broadcast_in_dim3A_25 = arith.constant 15 : i32
      %broadcast_in_dim3A_26 = vector.broadcast %broadcast_in_dim3A_25 : i32 to vector<16x1xi32>
      %gather3A_27 = vector.shape_cast %broadcast_in_dim3A_26 : vector<16x1xi32> to vector<16xi32>
      %gather3A_28 = tpu.dynamic_gather %masked_cumsum3A[%gather3A_27] in [0] : vector<16xf32>, vector<16xi32> -> vector<16xf32>
      %mul3A_29 = arith.constant 8.000000e-01 : f32
      %mul3A_30 = vector.broadcast %mul3A_29 : f32 to vector<16xf32>
      %mul3A_31 = arith.mulf %mul3A_30, %gather3A_28 : vector<16xf32>
      %le3A = arith.cmpf ole, %masked_cumsum3A, %mul3A_31 : vector<16xf32>
      %lt3A = arith.constant 1 : i32
      %lt3A_32 = vector.broadcast %lt3A : i32 to vector<16xi32>
      %lt3A_33 = arith.cmpi slt, %iota3A, %lt3A_32 : vector<16xi32>
      %or3A = arith.ori %le3A, %lt3A_33 : vector<16xi1>
      %jit3A = arith.constant 0.000000e+00 : f32
      %broadcast_in_dim3A_34 = vector.broadcast %jit3A : f32 to vector<16xf32>
      %select_n3A = arith.select %or3A, %exp3A, %broadcast_in_dim3A_34 : vector<16xi1>, vector<16xf32>
      %broadcast_in_dim3A_35 = arith.constant true
      %broadcast_in_dim3A_36 = vector.broadcast %broadcast_in_dim3A_35 : i1 to vector<16xi1>
      %masked_cumsum3A_37 = tpu.scan <sum>, %select_n3A masked %broadcast_in_dim3A_36 : vector<16xf32>, vector<16xi1> -> vector<16xf32>
      %broadcast_in_dim3A_38 = arith.constant 15 : i32
      %broadcast_in_dim3A_39 = vector.broadcast %broadcast_in_dim3A_38 : i32 to vector<16x1xi32>
      %gather3A_40 = vector.shape_cast %broadcast_in_dim3A_39 : vector<16x1xi32> to vector<16xi32>
      %gather3A_41 = tpu.dynamic_gather %masked_cumsum3A_37[%gather3A_40] in [0] : vector<16xf32>, vector<16xi32> -> vector<16xf32>
      %div3A = arith.divf %select_n3A, %gather3A_41 : vector<16xf32>
      %masked_sort3A_42 = arith.constant dense<true> : vector<16xi1>
      %masked_sort3A_43 = arith.constant -2147483648 : i32
      %masked_sort3A_44 = vector.broadcast %masked_sort3A_43 : i32 to vector<16xi32>
      %masked_sort3A_45 = arith.xori %masked_sort3A_17, %masked_sort3A_44 : vector<16xi32>
      %masked_sort3A_46, %masked_sort3A_47, %masked_sort3A_48 = tpu.sort %masked_sort3A_45, %div3A masked %masked_sort3A_42 : (vector<16xi32>, vector<16xf32>, vector<16xi1>) -> (vector<16xi1>, vector<16xi32>, vector<16xf32>)
      %masked_sort3A_49 = arith.xori %masked_sort3A_47, %masked_sort3A_44 : vector<16xi32>
      %swap3A = arith.index_cast %add3A_12 : i32 to index
      %swap3A_50 = arith.constant 0 : index
      %swap3A_51 = tpu.vector_load %arg5[%swap3A, %swap3A_50] {strides = array<i32>} : memref<128x16xf32, #tpu.memory_space<vmem>>, vector<16xf32>,
      tpu.vector_store %arg5[%swap3A, %swap3A_50], %masked_sort3A_48 {strides = array<i32>} : memref<128x16xf32, #tpu.memory_space<vmem>>, vector<16xf32>,
      %mul3A_52 = arith.constant 4 : i32
      %mul3A_53 = arith.muli %scan3A_8, %mul3A_52 : i32
      %add3A_54 = arith.constant 1 : i32
      %add3A_55 = arith.addi %mul3A_53, %add3A_54 : i32
      %get3A_56 = arith.index_cast %add3A_55 : i32 to index
      %get3A_57 = arith.constant 0 : index
      %get3A_58 = tpu.vector_load %arg4[%get3A_56, %get3A_57] {strides = array<i32>} : memref<128x16xf32, #tpu.memory_space<vmem>>, vector<16xf32>,
      %masked_sort3A_59 = arith.constant dense<true> : vector<16xi1>
      %masked_sort3A_60, %masked_sort3A_61, %masked_sort3A_62 = tpu.sort %get3A_58, %iota3A masked %masked_sort3A_59 {descending = true} : (vector<16xf32>, vector<16xi32>, vector<16xi1>) -> (vector<16xi1>, vector<16xf32>, vector<16xi32>)
      %broadcast_in_dim3A_63 = arith.constant 0 : i32
      %broadcast_in_dim3A_64 = vector.broadcast %broadcast_in_dim3A_63 : i32 to vector<16x1xi32>
      %gather3A_65 = vector.shape_cast %broadcast_in_dim3A_64 : vector<16x1xi32> to vector<16xi32>
      %gather3A_66 = tpu.dynamic_gather %masked_sort3A_61[%gather3A_65] in [0] : vector<16xf32>, vector<16xi32> -> vector<16xf32>
      %sub3A_67 = arith.subf %masked_sort3A_61, %gather3A_66 : vector<16xf32>
      %mul3A_68 = arith.constant 1.11111116 : f32
      %mul3A_69 = vector.broadcast %mul3A_68 : f32 to vector<16xf32>
      %mul3A_70 = arith.mulf %sub3A_67, %mul3A_69 : vector<16xf32>
      %exp3A_71 = math.exp %mul3A_70 : vector<16xf32>
      %broadcast_in_dim3A_72 = arith.constant true
      %broadcast_in_dim3A_73 = vector.broadcast %broadcast_in_dim3A_72 : i1 to vector<16xi1>
      %masked_cumsum3A_74 = tpu.scan <sum>, %exp3A_71 masked %broadcast_in_dim3A_73 : vector<16xf32>, vector<16xi1> -> vector<16xf32>
      %broadcast_in_dim3A_75 = arith.constant 15 : i32
      %broadcast_in_dim3A_76 = vector.broadcast %broadcast_in_dim3A_75 : i32 to vector<16x1xi32>
      %gather3A_77 = vector.shape_cast %broadcast_in_dim3A_76 : vector<16x1xi32> to vector<16xi32>
      %gather3A_78 = tpu.dynamic_gather %masked_cumsum3A_74[%gather3A_77] in [0] : vector<16xf32>, vector<16xi32> -> vector<16xf32>
      %mul3A_79 = arith.constant 8.000000e-01 : f32
      %mul3A_80 = vector.broadcast %mul3A_79 : f32 to vector<16xf32>
      %mul3A_81 = arith.mulf %mul3A_80, %gather3A_78 : vector<16xf32>
      %le3A_82 = arith.cmpf ole, %masked_cumsum3A_74, %mul3A_81 : vector<16xf32>
      %lt3A_83 = arith.constant 1 : i32
      %lt3A_84 = vector.broadcast %lt3A_83 : i32 to vector<16xi32>
      %lt3A_85 = arith.cmpi slt, %iota3A, %lt3A_84 : vector<16xi32>
      %or3A_86 = arith.ori %le3A_82, %lt3A_85 : vector<16xi1>
      %jit3A_87 = arith.constant 0.000000e+00 : f32
      %broadcast_in_dim3A_88 = vector.broadcast %jit3A_87 : f32 to vector<16xf32>
      %select_n3A_89 = arith.select %or3A_86, %exp3A_71, %broadcast_in_dim3A_88 : vector<16xi1>, vector<16xf32>
      %broadcast_in_dim3A_90 = arith.constant true
      %broadcast_in_dim3A_91 = vector.broadcast %broadcast_in_dim3A_90 : i1 to vector<16xi1>
      %masked_cumsum3A_92 = tpu.scan <sum>, %select_n3A_89 masked %broadcast_in_dim3A_91 : vector<16xf32>, vector<16xi1> -> vector<16xf32>
      %broadcast_in_dim3A_93 = arith.constant 15 : i32
      %broadcast_in_dim3A_94 = vector.broadcast %broadcast_in_dim3A_93 : i32 to vector<16x1xi32>
      %gather3A_95 = vector.shape_cast %broadcast_in_dim3A_94 : vector<16x1xi32> to vector<16xi32>
      %gather3A_96 = tpu.dynamic_gather %masked_cumsum3A_92[%gather3A_95] in [0] : vector<16xf32>, vector<16xi32> -> vector<16xf32>
      %div3A_97 = arith.divf %select_n3A_89, %gather3A_96 : vector<16xf32>
      %masked_sort3A_98 = arith.constant dense<true> : vector<16xi1>
      %masked_sort3A_99 = arith.constant -2147483648 : i32
      %masked_sort3A_100 = vector.broadcast %masked_sort3A_99 : i32 to vector<16xi32>
      %masked_sort3A_101 = arith.xori %masked_sort3A_62, %masked_sort3A_100 : vector<16xi32>
      %masked_sort3A_102, %masked_sort3A_103, %masked_sort3A_104 = tpu.sort %masked_sort3A_101, %div3A_97 masked %masked_sort3A_98 : (vector<16xi32>, vector<16xf32>, vector<16xi1>) -> (vector<16xi1>, vector<16xi32>, vector<16xf32>)
      %masked_sort3A_105 = arith.xori %masked_sort3A_103, %masked_sort3A_100 : vector<16xi32>
      %swap3A_106 = arith.index_cast %add3A_55 : i32 to index
      %swap3A_107 = arith.constant 0 : index
      %swap3A_108 = tpu.vector_load %arg5[%swap3A_106, %swap3A_107] {strides = array<i32>} : memref<128x16xf32, #tpu.memory_space<vmem>>, vector<16xf32>,
      tpu.vector_store %arg5[%swap3A_106, %swap3A_107], %masked_sort3A_104 {strides = array<i32>} : memref<128x16xf32, #tpu.memory_space<vmem>>, vector<16xf32>,
      %mul3A_109 = arith.constant 4 : i32
      %mul3A_110 = arith.muli %scan3A_8, %mul3A_109 : i32
      %add3A_111 = arith.constant 2 : i32
      %add3A_112 = arith.addi %mul3A_110, %add3A_111 : i32
      %get3A_113 = arith.index_cast %add3A_112 : i32 to index
      %get3A_114 = arith.constant 0 : index
      %get3A_115 = tpu.vector_load %arg4[%get3A_113, %get3A_114] {strides = array<i32>} : memref<128x16xf32, #tpu.memory_space<vmem>>, vector<16xf32>,
      %masked_sort3A_116 = arith.constant dense<true> : vector<16xi1>
      %masked_sort3A_117, %masked_sort3A_118, %masked_sort3A_119 = tpu.sort %get3A_115, %iota3A masked %masked_sort3A_116 {descending = true} : (vector<16xf32>, vector<16xi32>, vector<16xi1>) -> (vector<16xi1>, vector<16xf32>, vector<16xi32>)
      %broadcast_in_dim3A_120 = arith.constant 0 : i32
      %broadcast_in_dim3A_121 = vector.broadcast %broadcast_in_dim3A_120 : i32 to vector<16x1xi32>
      %gather3A_122 = vector.shape_cast %broadcast_in_dim3A_121 : vector<16x1xi32> to vector<16xi32>
      %gather3A_123 = tpu.dynamic_gather %masked_sort3A_118[%gather3A_122] in [0] : vector<16xf32>, vector<16xi32> -> vector<16xf32>
      %sub3A_124 = arith.subf %masked_sort3A_118, %gather3A_123 : vector<16xf32>
      %mul3A_125 = arith.constant 1.11111116 : f32
      %mul3A_126 = vector.broadcast %mul3A_125 : f32 to vector<16xf32>
      %mul3A_127 = arith.mulf %sub3A_124, %mul3A_126 : vector<16xf32>
      %exp3A_128 = math.exp %mul3A_127 : vector<16xf32>
      %broadcast_in_dim3A_129 = arith.constant true
      %broadcast_in_dim3A_130 = vector.broadcast %broadcast_in_dim3A_129 : i1 to vector<16xi1>
      %masked_cumsum3A_131 = tpu.scan <sum>, %exp3A_128 masked %broadcast_in_dim3A_130 : vector<16xf32>, vector<16xi1> -> vector<16xf32>
      %broadcast_in_dim3A_132 = arith.constant 15 : i32
      %broadcast_in_dim3A_133 = vector.broadcast %broadcast_in_dim3A_132 : i32 to vector<16x1xi32>
      %gather3A_134 = vector.shape_cast %broadcast_in_dim3A_133 : vector<16x1xi32> to vector<16xi32>
      %gather3A_135 = tpu.dynamic_gather %masked_cumsum3A_131[%gather3A_134] in [0] : vector<16xf32>, vector<16xi32> -> vector<16xf32>
      %mul3A_136 = arith.constant 8.000000e-01 : f32
      %mul3A_137 = vector.broadcast %mul3A_136 : f32 to vector<16xf32>
      %mul3A_138 = arith.mulf %mul3A_137, %gather3A_135 : vector<16xf32>
      %le3A_139 = arith.cmpf ole, %masked_cumsum3A_131, %mul3A_138 : vector<16xf32>
      %lt3A_140 = arith.constant 1 : i32
      %lt3A_141 = vector.broadcast %lt3A_140 : i32 to vector<16xi32>
      %lt3A_142 = arith.cmpi slt, %iota3A, %lt3A_141 : vector<16xi32>
      %or3A_143 = arith.ori %le3A_139, %lt3A_142 : vector<16xi1>
      %jit3A_144 = arith.constant 0.000000e+00 : f32
      %broadcast_in_dim3A_145 = vector.broadcast %jit3A_144 : f32 to vector<16xf32>
      %select_n3A_146 = arith.select %or3A_143, %exp3A_128, %broadcast_in_dim3A_145 : vector<16xi1>, vector<16xf32>
      %broadcast_in_dim3A_147 = arith.constant true
      %broadcast_in_dim3A_148 = vector.broadcast %broadcast_in_dim3A_147 : i1 to vector<16xi1>
      %masked_cumsum3A_149 = tpu.scan <sum>, %select_n3A_146 masked %broadcast_in_dim3A_148 : vector<16xf32>, vector<16xi1> -> vector<16xf32>
      %broadcast_in_dim3A_150 = arith.constant 15 : i32
      %broadcast_in_dim3A_151 = vector.broadcast %broadcast_in_dim3A_150 : i32 to vector<16x1xi32>
      %gather3A_152 = vector.shape_cast %broadcast_in_dim3A_151 : vector<16x1xi32> to vector<16xi32>
      %gather3A_153 = tpu.dynamic_gather %masked_cumsum3A_149[%gather3A_152] in [0] : vector<16xf32>, vector<16xi32> -> vector<16xf32>
      %div3A_154 = arith.divf %select_n3A_146, %gather3A_153 : vector<16xf32>
      %masked_sort3A_155 = arith.constant dense<true> : vector<16xi1>
      %masked_sort3A_156 = arith.constant -2147483648 : i32
      %masked_sort3A_157 = vector.broadcast %masked_sort3A_156 : i32 to vector<16xi32>
      %masked_sort3A_158 = arith.xori %masked_sort3A_119, %masked_sort3A_157 : vector<16xi32>
      %masked_sort3A_159, %masked_sort3A_160, %masked_sort3A_161 = tpu.sort %masked_sort3A_158, %div3A_154 masked %masked_sort3A_155 : (vector<16xi32>, vector<16xf32>, vector<16xi1>) -> (vector<16xi1>, vector<16xi32>, vector<16xf32>)
      %masked_sort3A_162 = arith.xori %masked_sort3A_160, %masked_sort3A_157 : vector<16xi32>
      %swap3A_163 = arith.index_cast %add3A_112 : i32 to index
      %swap3A_164 = arith.constant 0 : index
      %swap3A_165 = tpu.vector_load %arg5[%swap3A_163, %swap3A_164] {strides = array<i32>} : memref<128x16xf32, #tpu.memory_space<vmem>>, vector<16xf32>,
      tpu.vector_store %arg5[%swap3A_163, %swap3A_164], %masked_sort3A_161 {strides = array<i32>} : memref<128x16xf32, #tpu.memory_space<vmem>>, vector<16xf32>,
      %mul3A_166 = arith.constant 4 : i32
      %mul3A_167 = arith.muli %scan3A_8, %mul3A_166 : i32
      %add3A_168 = arith.constant 3 : i32
      %add3A_169 = arith.addi %mul3A_167, %add3A_168 : i32
      %get3A_170 = arith.index_cast %add3A_169 : i32 to index
      %get3A_171 = arith.constant 0 : index
      %get3A_172 = tpu.vector_load %arg4[%get3A_170, %get3A_171] {strides = array<i32>} : memref<128x16xf32, #tpu.memory_space<vmem>>, vector<16xf32>,
      %masked_sort3A_173 = arith.constant dense<true> : vector<16xi1>
      %masked_sort3A_174, %masked_sort3A_175, %masked_sort3A_176 = tpu.sort %get3A_172, %iota3A masked %masked_sort3A_173 {descending = true} : (vector<16xf32>, vector<16xi32>, vector<16xi1>) -> (vector<16xi1>, vector<16xf32>, vector<16xi32>)
      %broadcast_in_dim3A_177 = arith.constant 0 : i32
      %broadcast_in_dim3A_178 = vector.broadcast %broadcast_in_dim3A_177 : i32 to vector<16x1xi32>
      %gather3A_179 = vector.shape_cast %broadcast_in_dim3A_178 : vector<16x1xi32> to vector<16xi32>
      %gather3A_180 = tpu.dynamic_gather %masked_sort3A_175[%gather3A_179] in [0] : vector<16xf32>, vector<16xi32> -> vector<16xf32>
      %sub3A_181 = arith.subf %masked_sort3A_175, %gather3A_180 : vector<16xf32>
      %mul3A_182 = arith.constant 1.11111116 : f32
      %mul3A_183 = vector.broadcast %mul3A_182 : f32 to vector<16xf32>
      %mul3A_184 = arith.mulf %sub3A_181, %mul3A_183 : vector<16xf32>
      %exp3A_185 = math.exp %mul3A_184 : vector<16xf32>
      %broadcast_in_dim3A_186 = arith.constant true
      %broadcast_in_dim3A_187 = vector.broadcast %broadcast_in_dim3A_186 : i1 to vector<16xi1>
      %masked_cumsum3A_188 = tpu.scan <sum>, %exp3A_185 masked %broadcast_in_dim3A_187 : vector<16xf32>, vector<16xi1> -> vector<16xf32>
      %broadcast_in_dim3A_189 = arith.constant 15 : i32
      %broadcast_in_dim3A_190 = vector.broadcast %broadcast_in_dim3A_189 : i32 to vector<16x1xi32>
      %gather3A_191 = vector.shape_cast %broadcast_in_dim3A_190 : vector<16x1xi32> to vector<16xi32>
      %gather3A_192 = tpu.dynamic_gather %masked_cumsum3A_188[%gather3A_191] in [0] : vector<16xf32>, vector<16xi32> -> vector<16xf32>
      %mul3A_193 = arith.constant 8.000000e-01 : f32
      %mul3A_194 = vector.broadcast %mul3A_193 : f32 to vector<16xf32>
      %mul3A_195 = arith.mulf %mul3A_194, %gather3A_192 : vector<16xf32>
      %le3A_196 = arith.cmpf ole, %masked_cumsum3A_188, %mul3A_195 : vector<16xf32>
      %lt3A_197 = arith.constant 1 : i32
      %lt3A_198 = vector.broadcast %lt3A_197 : i32 to vector<16xi32>
      %lt3A_199 = arith.cmpi slt, %iota3A, %lt3A_198 : vector<16xi32>
      %or3A_200 = arith.ori %le3A_196, %lt3A_199 : vector<16xi1>
      %jit3A_201 = arith.constant 0.000000e+00 : f32
      %broadcast_in_dim3A_202 = vector.broadcast %jit3A_201 : f32 to vector<16xf32>
      %select_n3A_203 = arith.select %or3A_200, %exp3A_185, %broadcast_in_dim3A_202 : vector<16xi1>, vector<16xf32>
      %broadcast_in_dim3A_204 = arith.constant true
      %broadcast_in_dim3A_205 = vector.broadcast %broadcast_in_dim3A_204 : i1 to vector<16xi1>
      %masked_cumsum3A_206 = tpu.scan <sum>, %select_n3A_203 masked %broadcast_in_dim3A_205 : vector<16xf32>, vector<16xi1> -> vector<16xf32>
      %broadcast_in_dim3A_207 = arith.constant 15 : i32
      %broadcast_in_dim3A_208 = vector.broadcast %broadcast_in_dim3A_207 : i32 to vector<16x1xi32>
      %gather3A_209 = vector.shape_cast %broadcast_in_dim3A_208 : vector<16x1xi32> to vector<16xi32>
      %gather3A_210 = tpu.dynamic_gather %masked_cumsum3A_206[%gather3A_209] in [0] : vector<16xf32>, vector<16xi32> -> vector<16xf32>
      %div3A_211 = arith.divf %select_n3A_203, %gather3A_210 : vector<16xf32>
      %masked_sort3A_212 = arith.constant dense<true> : vector<16xi1>
      %masked_sort3A_213 = arith.constant -2147483648 : i32
      %masked_sort3A_214 = vector.broadcast %masked_sort3A_213 : i32 to vector<16xi32>
      %masked_sort3A_215 = arith.xori %masked_sort3A_176, %masked_sort3A_214 : vector<16xi32>
      %masked_sort3A_216, %masked_sort3A_217, %masked_sort3A_218 = tpu.sort %masked_sort3A_215, %div3A_211 masked %masked_sort3A_212 : (vector<16xi32>, vector<16xf32>, vector<16xi1>) -> (vector<16xi1>, vector<16xi32>, vector<16xf32>)
      %masked_sort3A_219 = arith.xori %masked_sort3A_217, %masked_sort3A_214 : vector<16xi32>
      %swap3A_220 = arith.index_cast %add3A_169 : i32 to index
      %swap3A_221 = arith.constant 0 : index
      %swap3A_222 = tpu.vector_load %arg5[%swap3A_220, %swap3A_221] {strides = array<i32>} : memref<128x16xf32, #tpu.memory_space<vmem>>, vector<16xf32>,
      tpu.vector_store %arg5[%swap3A_220, %swap3A_221], %masked_sort3A_218 {strides = array<i32>} : memref<128x16xf32, #tpu.memory_space<vmem>>, vector<16xf32>,
    }
    %scan3A_7 = arith.constant 32 : i32
    "tpu.region"() ({
      %run_scoped3A = tpu.sem_alloc : memref<!tpu.dma_semaphore, #tpu.memory_space<semaphore_mem>>
      %dma_start3A = arith.constant 0 : i32
      %dma_start3A_8 = tpu.memref_slice %arg3[%mul3A_2, %dma_start3A] : memref<4096x16xf32, #tpu.memory_space<hbm>> -> memref<128x16xf32, #tpu.memory_space<hbm>>
      %dma_start3A_9 = arith.constant 0 : i32
      %dma_start3A_10 = tpu.memref_slice %arg3[%mul3A_2, %dma_start3A_9] : memref<4096x16xf32, #tpu.memory_space<hbm>> -> memref<128x16xf32, #tpu.memory_space<hbm>>
      tpu.enqueue_dma source(%arg5 : memref<128x16xf32, #tpu.memory_space<vmem>>) target(%dma_start3A_10 : memref<128x16xf32, #tpu.memory_space<hbm>>) target_semaphore(%run_scoped3A : memref<!tpu.dma_semaphore, #tpu.memory_space<semaphore_mem>>)
      %dma_wait3A = arith.constant 0 : i32
      %dma_wait3A_11 = tpu.memref_slice %arg3[%mul3A_2, %dma_wait3A] : memref<4096x16xf32, #tpu.memory_space<hbm>> -> memref<128x16xf32, #tpu.memory_space<hbm>>
      %dma_wait3A_12 = arith.constant 0 : i32
      %dma_wait3A_13 = tpu.memref_slice %arg3[%mul3A_2, %dma_wait3A_12] : memref<4096x16xf32, #tpu.memory_space<hbm>> -> memref<128x16xf32, #tpu.memory_space<hbm>>
      tpu.wait_dma2 semaphore(%run_scoped3A : memref<!tpu.dma_semaphore, #tpu.memory_space<semaphore_mem>>) src(%arg5 : memref<128x16xf32, #tpu.memory_space<vmem>>) dst(%dma_wait3A_13 : memref<128x16xf32, #tpu.memory_space<hbm>>)
      tpu.yield
    }) : () -> ()
    return
  }
}

module attributes {stable_mosaic.version = 14 : i64} {
  func.func @_gate_body(%arg0: i32, %arg1: i32, %arg2: memref<196x8x2048xf32, #tpu.memory_space<vmem>>, %arg3: memref<128x196xf32, #tpu.memory_space<vmem>>, %arg4: memref<128x1xf32, #tpu.memory_space<vmem>>, %arg5: memref<16x128xf32, #tpu.memory_space<vmem>>, %arg6: memref<1x16xf32, #tpu.memory_space<vmem>>, %arg7: memref<2048x16xf32, #tpu.memory_space<vmem>>, %arg8: memref<128x2048xf32, #tpu.memory_space<vmem>>) attributes {dimension_semantics = [#tpu.dimension_semantics<arbitrary>, #tpu.dimension_semantics<arbitrary>], iteration_bounds = array<i64: 2, 8>, scalar_prefetch = 0 : i64, scratch_operands = 1 : i64, tpu.core_type = #tpu.core_type<tc>, window_params = [{transform_indices = @transform_0, window_bounds = array<i64: 196, 8, 2048>}, {pipeline_mode = #tpu.pipeline_mode<synchronous>, transform_indices = @transform_1, window_bounds = array<i64: 128, 196>}, {pipeline_mode = #tpu.pipeline_mode<synchronous>, transform_indices = @transform_2, window_bounds = array<i64: 128, 1>}, {pipeline_mode = #tpu.pipeline_mode<synchronous>, transform_indices = @transform_3, window_bounds = array<i64: 16, 128>}, {pipeline_mode = #tpu.pipeline_mode<synchronous>, transform_indices = @transform_4, window_bounds = array<i64: 1, 16>}, {transform_indices = @transform_5, window_bounds = array<i64: 2048, 16>}]} {
    %get3A = arith.constant 0 : index
    %get3A_0 = arith.constant 0 : index
    %get3A_1 = vector.load %arg3[%get3A, %get3A_0] : memref<128x196xf32, #tpu.memory_space<vmem>>, vector<128x196xf32>
    %get3A_2 = arith.constant 0 : index
    %get3A_3 = arith.constant 0 : index
    %get3A_4 = vector.load %arg4[%get3A_2, %get3A_3] : memref<128x1xf32, #tpu.memory_space<vmem>>, vector<128x1xf32>
    %get3A_5 = arith.constant 0 : index
    %get3A_6 = arith.constant 0 : index
    %get3A_7 = arith.constant 0 : index
    %get3A_8 = vector.load %arg2[%get3A_5, %get3A_6, %get3A_7] : memref<196x8x2048xf32, #tpu.memory_space<vmem>>, vector<196x1x2048xf32>
    %get3A_9 = vector.shape_cast %get3A_8 : vector<196x1x2048xf32> to vector<196x2048xf32>
    %dot_general3A = arith.constant dense<0.000000e+00> : vector<128x2048xf32>
    %dot_general3A_10 = tpu.matmul %get3A_1, %get3A_9, %dot_general3A {dimension_numbers = #tpu.dot_dimension_numbers<[1], [0], [0], [1], [0, 0, 1, 1], [], []>, transpose_lhs_hint = false} : vector<128x196xf32>, vector<196x2048xf32>, vector<128x2048xf32> -> vector<128x2048xf32>
    %add3A = vector.broadcast %get3A_4 : vector<128x1xf32> to vector<128x2048xf32>
    %add3A_11 = arith.addf %dot_general3A_10, %add3A : vector<128x2048xf32>
    %max3A = arith.constant 0.000000e+00 : f32
    %max3A_12 = vector.broadcast %max3A : f32 to vector<128x2048xf32>
    %max3A_13 = arith.maximumf %add3A_11, %max3A_12 : vector<128x2048xf32>
    %get3A_14 = arith.constant 0 : index
    %get3A_15 = arith.constant 1 : index
    %get3A_16 = arith.constant 0 : index
    %get3A_17 = vector.load %arg2[%get3A_14, %get3A_15, %get3A_16] : memref<196x8x2048xf32, #tpu.memory_space<vmem>>, vector<196x1x2048xf32>
    %get3A_18 = vector.shape_cast %get3A_17 : vector<196x1x2048xf32> to vector<196x2048xf32>
    %dot_general3A_19 = arith.constant dense<0.000000e+00> : vector<128x2048xf32>
    %dot_general3A_20 = tpu.matmul %get3A_1, %get3A_18, %dot_general3A_19 {dimension_numbers = #tpu.dot_dimension_numbers<[1], [0], [0], [1], [0, 0, 1, 1], [], []>, transpose_lhs_hint = false} : vector<128x196xf32>, vector<196x2048xf32>, vector<128x2048xf32> -> vector<128x2048xf32>
    %add3A_21 = vector.broadcast %get3A_4 : vector<128x1xf32> to vector<128x2048xf32>
    %add3A_22 = arith.addf %dot_general3A_20, %add3A_21 : vector<128x2048xf32>
    %max3A_23 = arith.constant 0.000000e+00 : f32
    %max3A_24 = vector.broadcast %max3A_23 : f32 to vector<128x2048xf32>
    %max3A_25 = arith.maximumf %add3A_22, %max3A_24 : vector<128x2048xf32>
    %get3A_26 = arith.constant 0 : index
    %get3A_27 = arith.constant 2 : index
    %get3A_28 = arith.constant 0 : index
    %get3A_29 = vector.load %arg2[%get3A_26, %get3A_27, %get3A_28] : memref<196x8x2048xf32, #tpu.memory_space<vmem>>, vector<196x1x2048xf32>
    %get3A_30 = vector.shape_cast %get3A_29 : vector<196x1x2048xf32> to vector<196x2048xf32>
    %dot_general3A_31 = arith.constant dense<0.000000e+00> : vector<128x2048xf32>
    %dot_general3A_32 = tpu.matmul %get3A_1, %get3A_30, %dot_general3A_31 {dimension_numbers = #tpu.dot_dimension_numbers<[1], [0], [0], [1], [0, 0, 1, 1], [], []>, transpose_lhs_hint = false} : vector<128x196xf32>, vector<196x2048xf32>, vector<128x2048xf32> -> vector<128x2048xf32>
    %add3A_33 = vector.broadcast %get3A_4 : vector<128x1xf32> to vector<128x2048xf32>
    %add3A_34 = arith.addf %dot_general3A_32, %add3A_33 : vector<128x2048xf32>
    %max3A_35 = arith.constant 0.000000e+00 : f32
    %max3A_36 = vector.broadcast %max3A_35 : f32 to vector<128x2048xf32>
    %max3A_37 = arith.maximumf %add3A_34, %max3A_36 : vector<128x2048xf32>
    %get3A_38 = arith.constant 0 : index
    %get3A_39 = arith.constant 3 : index
    %get3A_40 = arith.constant 0 : index
    %get3A_41 = vector.load %arg2[%get3A_38, %get3A_39, %get3A_40] : memref<196x8x2048xf32, #tpu.memory_space<vmem>>, vector<196x1x2048xf32>
    %get3A_42 = vector.shape_cast %get3A_41 : vector<196x1x2048xf32> to vector<196x2048xf32>
    %dot_general3A_43 = arith.constant dense<0.000000e+00> : vector<128x2048xf32>
    %dot_general3A_44 = tpu.matmul %get3A_1, %get3A_42, %dot_general3A_43 {dimension_numbers = #tpu.dot_dimension_numbers<[1], [0], [0], [1], [0, 0, 1, 1], [], []>, transpose_lhs_hint = false} : vector<128x196xf32>, vector<196x2048xf32>, vector<128x2048xf32> -> vector<128x2048xf32>
    %add3A_45 = vector.broadcast %get3A_4 : vector<128x1xf32> to vector<128x2048xf32>
    %add3A_46 = arith.addf %dot_general3A_44, %add3A_45 : vector<128x2048xf32>
    %max3A_47 = arith.constant 0.000000e+00 : f32
    %max3A_48 = vector.broadcast %max3A_47 : f32 to vector<128x2048xf32>
    %max3A_49 = arith.maximumf %add3A_46, %max3A_48 : vector<128x2048xf32>
    %get3A_50 = arith.constant 0 : index
    %get3A_51 = arith.constant 4 : index
    %get3A_52 = arith.constant 0 : index
    %get3A_53 = vector.load %arg2[%get3A_50, %get3A_51, %get3A_52] : memref<196x8x2048xf32, #tpu.memory_space<vmem>>, vector<196x1x2048xf32>
    %get3A_54 = vector.shape_cast %get3A_53 : vector<196x1x2048xf32> to vector<196x2048xf32>
    %dot_general3A_55 = arith.constant dense<0.000000e+00> : vector<128x2048xf32>
    %dot_general3A_56 = tpu.matmul %get3A_1, %get3A_54, %dot_general3A_55 {dimension_numbers = #tpu.dot_dimension_numbers<[1], [0], [0], [1], [0, 0, 1, 1], [], []>, transpose_lhs_hint = false} : vector<128x196xf32>, vector<196x2048xf32>, vector<128x2048xf32> -> vector<128x2048xf32>
    %add3A_57 = vector.broadcast %get3A_4 : vector<128x1xf32> to vector<128x2048xf32>
    %add3A_58 = arith.addf %dot_general3A_56, %add3A_57 : vector<128x2048xf32>
    %max3A_59 = arith.constant 0.000000e+00 : f32
    %max3A_60 = vector.broadcast %max3A_59 : f32 to vector<128x2048xf32>
    %max3A_61 = arith.maximumf %add3A_58, %max3A_60 : vector<128x2048xf32>
    %get3A_62 = arith.constant 0 : index
    %get3A_63 = arith.constant 5 : index
    %get3A_64 = arith.constant 0 : index
    %get3A_65 = vector.load %arg2[%get3A_62, %get3A_63, %get3A_64] : memref<196x8x2048xf32, #tpu.memory_space<vmem>>, vector<196x1x2048xf32>
    %get3A_66 = vector.shape_cast %get3A_65 : vector<196x1x2048xf32> to vector<196x2048xf32>
    %dot_general3A_67 = arith.constant dense<0.000000e+00> : vector<128x2048xf32>
    %dot_general3A_68 = tpu.matmul %get3A_1, %get3A_66, %dot_general3A_67 {dimension_numbers = #tpu.dot_dimension_numbers<[1], [0], [0], [1], [0, 0, 1, 1], [], []>, transpose_lhs_hint = false} : vector<128x196xf32>, vector<196x2048xf32>, vector<128x2048xf32> -> vector<128x2048xf32>
    %add3A_69 = vector.broadcast %get3A_4 : vector<128x1xf32> to vector<128x2048xf32>
    %add3A_70 = arith.addf %dot_general3A_68, %add3A_69 : vector<128x2048xf32>
    %max3A_71 = arith.constant 0.000000e+00 : f32
    %max3A_72 = vector.broadcast %max3A_71 : f32 to vector<128x2048xf32>
    %max3A_73 = arith.maximumf %add3A_70, %max3A_72 : vector<128x2048xf32>
    %get3A_74 = arith.constant 0 : index
    %get3A_75 = arith.constant 6 : index
    %get3A_76 = arith.constant 0 : index
    %get3A_77 = vector.load %arg2[%get3A_74, %get3A_75, %get3A_76] : memref<196x8x2048xf32, #tpu.memory_space<vmem>>, vector<196x1x2048xf32>
    %get3A_78 = vector.shape_cast %get3A_77 : vector<196x1x2048xf32> to vector<196x2048xf32>
    %dot_general3A_79 = arith.constant dense<0.000000e+00> : vector<128x2048xf32>
    %dot_general3A_80 = tpu.matmul %get3A_1, %get3A_78, %dot_general3A_79 {dimension_numbers = #tpu.dot_dimension_numbers<[1], [0], [0], [1], [0, 0, 1, 1], [], []>, transpose_lhs_hint = false} : vector<128x196xf32>, vector<196x2048xf32>, vector<128x2048xf32> -> vector<128x2048xf32>
    %add3A_81 = vector.broadcast %get3A_4 : vector<128x1xf32> to vector<128x2048xf32>
    %add3A_82 = arith.addf %dot_general3A_80, %add3A_81 : vector<128x2048xf32>
    %max3A_83 = arith.constant 0.000000e+00 : f32
    %max3A_84 = vector.broadcast %max3A_83 : f32 to vector<128x2048xf32>
    %max3A_85 = arith.maximumf %add3A_82, %max3A_84 : vector<128x2048xf32>
    %get3A_86 = arith.constant 0 : index
    %get3A_87 = arith.constant 7 : index
    %get3A_88 = arith.constant 0 : index
    %get3A_89 = vector.load %arg2[%get3A_86, %get3A_87, %get3A_88] : memref<196x8x2048xf32, #tpu.memory_space<vmem>>, vector<196x1x2048xf32>
    %get3A_90 = vector.shape_cast %get3A_89 : vector<196x1x2048xf32> to vector<196x2048xf32>
    %dot_general3A_91 = arith.constant dense<0.000000e+00> : vector<128x2048xf32>
    %dot_general3A_92 = tpu.matmul %get3A_1, %get3A_90, %dot_general3A_91 {dimension_numbers = #tpu.dot_dimension_numbers<[1], [0], [0], [1], [0, 0, 1, 1], [], []>, transpose_lhs_hint = false} : vector<128x196xf32>, vector<196x2048xf32>, vector<128x2048xf32> -> vector<128x2048xf32>
    %add3A_93 = vector.broadcast %get3A_4 : vector<128x1xf32> to vector<128x2048xf32>
    %add3A_94 = arith.addf %dot_general3A_92, %add3A_93 : vector<128x2048xf32>
    %max3A_95 = arith.constant 0.000000e+00 : f32
    %max3A_96 = vector.broadcast %max3A_95 : f32 to vector<128x2048xf32>
    %max3A_97 = arith.maximumf %add3A_94, %max3A_96 : vector<128x2048xf32>
    %add3A_98 = arith.addf %max3A_13, %max3A_25 : vector<128x2048xf32>
    %add3A_99 = arith.addf %max3A_37, %max3A_49 : vector<128x2048xf32>
    %add3A_100 = arith.addf %add3A_98, %add3A_99 : vector<128x2048xf32>
    %add3A_101 = arith.addf %max3A_61, %max3A_73 : vector<128x2048xf32>
    %add3A_102 = arith.addf %max3A_85, %max3A_97 : vector<128x2048xf32>
    %add3A_103 = arith.addf %add3A_101, %add3A_102 : vector<128x2048xf32>
    %add3A_104 = arith.addf %add3A_100, %add3A_103 : vector<128x2048xf32>
    %eq3A = arith.constant 0 : i32
    %eq3A_105 = arith.cmpi eq, %arg1, %eq3A : i32
    %convert_element_type3A = arith.extui %eq3A_105 : i1 to i32
    %cond3A = arith.constant 0 : i32
    %cond3A_106 = arith.cmpi ne, %convert_element_type3A, %cond3A : i32
    scf.if %cond3A_106 {
      %swap3A = arith.constant 0 : index
      %swap3A_116 = arith.constant 0 : index
      %swap3A_117 = vector.load %arg8[%swap3A, %swap3A_116] : memref<128x2048xf32, #tpu.memory_space<vmem>>, vector<128x2048xf32>
      tpu.vector_store %arg8[%swap3A, %swap3A_116], %add3A_104 {strides = array<i32>} : memref<128x2048xf32, #tpu.memory_space<vmem>>, vector<128x2048xf32>,
    } else {
    }
    %gt3A = arith.constant 0 : i32
    %gt3A_107 = arith.cmpi sgt, %arg1, %gt3A : i32
    %convert_element_type3A_108 = arith.extui %gt3A_107 : i1 to i32
    %cond3A_109 = arith.constant 0 : i32
    %cond3A_110 = arith.cmpi ne, %convert_element_type3A_108, %cond3A_109 : i32
    scf.if %cond3A_110 {
      %get3A_116 = arith.constant 0 : index
      %get3A_117 = arith.constant 0 : index
      %get3A_118 = vector.load %arg8[%get3A_116, %get3A_117] : memref<128x2048xf32, #tpu.memory_space<vmem>>, vector<128x2048xf32>
      %add3A_119 = arith.addf %get3A_118, %add3A_104 : vector<128x2048xf32>
      %swap3A = arith.constant 0 : index
      %swap3A_120 = arith.constant 0 : index
      %swap3A_121 = vector.load %arg8[%swap3A, %swap3A_120] : memref<128x2048xf32, #tpu.memory_space<vmem>>, vector<128x2048xf32>
      tpu.vector_store %arg8[%swap3A, %swap3A_120], %add3A_119 {strides = array<i32>} : memref<128x2048xf32, #tpu.memory_space<vmem>>, vector<128x2048xf32>,
    } else {
    }
    %eq3A_111 = arith.constant 7 : i32
    %eq3A_112 = arith.cmpi eq, %arg1, %eq3A_111 : i32
    %convert_element_type3A_113 = arith.extui %eq3A_112 : i1 to i32
    %cond3A_114 = arith.constant 0 : i32
    %cond3A_115 = arith.cmpi ne, %convert_element_type3A_113, %cond3A_114 : i32
    scf.if %cond3A_115 {
      %get3A_116 = arith.constant 0 : index
      %get3A_117 = arith.constant 0 : index
      %get3A_118 = vector.load %arg8[%get3A_116, %get3A_117] : memref<128x2048xf32, #tpu.memory_space<vmem>>, vector<128x2048xf32>
      %mul3A = arith.constant 1.562500e-02 : f32
      %mul3A_119 = vector.broadcast %mul3A : f32 to vector<128x2048xf32>
      %mul3A_120 = arith.mulf %get3A_118, %mul3A_119 : vector<128x2048xf32>
      %get3A_121 = arith.constant 0 : index
      %get3A_122 = arith.constant 0 : index
      %get3A_123 = vector.load %arg5[%get3A_121, %get3A_122] : memref<16x128xf32, #tpu.memory_space<vmem>>, vector<16x128xf32>
      %dot_general3A_124 = arith.constant dense<0.000000e+00> : vector<2048x16xf32>
      %dot_general3A_125 = tpu.matmul %mul3A_120, %get3A_123, %dot_general3A_124 {dimension_numbers = #tpu.dot_dimension_numbers<[0], [1], [1], [0], [0, 1, 1, 0], [], []>, transpose_lhs_hint = false} : vector<128x2048xf32>, vector<16x128xf32>, vector<2048x16xf32> -> vector<2048x16xf32>
      %get3A_126 = arith.constant 0 : index
      %get3A_127 = arith.constant 0 : index
      %get3A_128 = vector.load %arg6[%get3A_126, %get3A_127] : memref<1x16xf32, #tpu.memory_space<vmem>>, vector<1x16xf32>
      %add3A_129 = vector.broadcast %get3A_128 : vector<1x16xf32> to vector<2048x16xf32>
      %add3A_130 = arith.addf %dot_general3A_125, %add3A_129 : vector<2048x16xf32>
      %swap3A = arith.constant 0 : index
      %swap3A_131 = arith.constant 0 : index
      %swap3A_132 = vector.load %arg7[%swap3A, %swap3A_131] : memref<2048x16xf32, #tpu.memory_space<vmem>>, vector<2048x16xf32>
      tpu.vector_store %arg7[%swap3A, %swap3A_131], %add3A_130 {strides = array<i32>} : memref<2048x16xf32, #tpu.memory_space<vmem>>, vector<2048x16xf32>,
    } else {
    }
    return
  }
  func.func @transform_0(%arg0: i32, %arg1: i32) -> (i32, i32, i32) {
    %c0_i32 = arith.constant 0 : i32
    %c0_i32_0 = arith.constant 0 : i32
    return %c0_i32, %arg1, %arg0 : i32, i32, i32
  }
  func.func @transform_1(%arg0: i32, %arg1: i32) -> (i32, i32) {
    %c0_i32 = arith.constant 0 : i32
    %c0_i32_0 = arith.constant 0 : i32
    %c0_i32_1 = arith.constant 0 : i32
    return %c0_i32, %c0_i32_0 : i32, i32
  }
  func.func @transform_2(%arg0: i32, %arg1: i32) -> (i32, i32) {
    %c0_i32 = arith.constant 0 : i32
    %c0_i32_0 = arith.constant 0 : i32
    %c0_i32_1 = arith.constant 0 : i32
    return %c0_i32, %c0_i32_0 : i32, i32
  }
  func.func @transform_3(%arg0: i32, %arg1: i32) -> (i32, i32) {
    %c0_i32 = arith.constant 0 : i32
    %c0_i32_0 = arith.constant 0 : i32
    %c0_i32_1 = arith.constant 0 : i32
    return %c0_i32, %c0_i32_0 : i32, i32
  }
  func.func @transform_4(%arg0: i32, %arg1: i32) -> (i32, i32) {
    %c0_i32 = arith.constant 0 : i32
    %c0_i32_0 = arith.constant 0 : i32
    %c0_i32_1 = arith.constant 0 : i32
    return %c0_i32, %c0_i32_0 : i32, i32
  }
  func.func @transform_5(%arg0: i32, %arg1: i32) -> (i32, i32) {
    %c0_i32 = arith.constant 0 : i32
    %c0_i32_0 = arith.constant 0 : i32
    return %arg0, %c0_i32 : i32, i32
  }
}

</mosaic_0001>

<sc_bundles>
// kernel: kernel.4.cloned.1.call-start
scs
__scs_entry_jumppad:
0x0: {  	(pc) =	sbr.rel $0x88, $3  }
0x1: {  	(tag) =	ssettag $0x0;
	lr =	simm.s32 $0x1  }
0x2: {  	[smem:$0x3F9C] =	sst lr;
	_ =	strace $0xD0000000  }
0x3: {  	_ = 	snop  }
0x4: {  	_ = 	snop  }
0x5: {  	_ = 	snop  }
0x6: {  	_ = 	snop  }
0x7: {  	_ = 	snop  }
__scs_overlays_trampoline_lowered:
0x8: {  	[smem:$0x3FAB] =	sst s0  }
0x9: {  	[smem:$0x3FAC] =	sst s1  }
0xa: {  	[smem:$0x3FAD] =	sst s2  }
0xb: {  	[smem:$0x3FAE] =	sst s3  }
0xc: {  	[smem:$0x3FAF] =	sst s4  }
0xd: {  	[smem:$0x3FB0] =	sst s5  }
0xe: {  	[smem:$0x3FB1] =	sst s6  }
0xf: {  	[smem:$0x3FB2] =	sst s7  }
0x10: {  	[smem:$0x3FB3] =	sst s8  }
0x11: {  	[smem:$0x3FB4] =	sst s9;
	s0 =	simm.s32 @!p0 $0x0  }
0x12: {  	s1 =	sld [smem:$0x3F9A];
	s0 =	simm.s32 @p0 $0x1  }
0x13: {  	[smem:$0x3FB5] =	sst s0;
	s0 =	simm.s32 @!p1 $0x0  }
0x14: {  	s2 =	sld [smem:$0x3F99];
	s0 =	simm.s32 @p1 $0x1  }
0x15: {  	[smem:$0x3FB6] =	sst s0;
	s0 =	simm.s32 @!p2 $0x0  }
0x16: {  	s3 =	sld [smem:$0x3FDB];
	s0 =	simm.s32 @p2 $0x1  }
0x17: {  	s4 =	simm.s32 $0x1BF5;
	[smem:$0x3FB8] =	sst s0  }
0x18: {  	s0 =	sld [smem:$0x3F9B];
	_ =	swait.ge [sflag:s4], $0x0  }
0x19: {  	s7 =	sld [smem:$0x3F9C]  }
0x1a: {  	s8 =	sadd.s32 $0xFFFFE003, lr  }
0x1b: {  	s9 =	sadd.s32 $0xFFFFFEF7, lr;
	s5 =	simm.s32 $0xFFFFFFFF;
	p2 =	slt.u32 s8, $0xFFFFF086  }
0x1c: {  	p1 =	slt.u32 s9, $0xF7A;
	s5 =	simm.s32 @!p2 $0x0  }
0x1d: {  	s5 =	simm.s32 @p1 $0x1;
	p0 =	seq.s32 s7, s2  }
0x1e: {  	s7 =	smul.u32 @!p0 $0xF7A, s2;
	p2 =	seq.s32 @!p0 s5, $0x0  }
0x1f: {  	s9 =	smul.u32 $0xF7A, s1;
	s8 =	simm.s32 @!p0 $0x1BF5;
	p2 =	por !p2, p0  }
0x20: {  	[sflag:s8] =	ssyncset.s32 @!p0 $0xFFFFF086;
	s6 =	sadd.s32 @!p0 s3, s7;
	s7 =	simm.s32 @!p0 $0x108  }
0x21: {  	s3 =	sadd.s32 s3, s9;
	s6 =	sadd.s32 @!p0 $0x88, s6;
	s7 =	simm.s32 @p2 $0x1082  }
0x22: {  	[simem:s7], [sflag:s8] =	dma.local @!p0 [hbm:s6], $0xF7A  }
0x23: {  	s9 =	sor.u32 $0xD0000000, s2;
	s6 =	simm.s32 $0x108;
	_ =	swait.ge @!p0 [sflag:s8], $0x0  }
0x24: {  	s3 =	sadd.s32 $0x88, s3;
	s6 =	simm.s32 @!p1 $0x1082;
	[sflag:s4] =	ssyncset.s32 $0xFFFFF086  }
0x25: {  	[simem:s6], [sflag:s4] =	dma.local [hbm:s3], $0xF7A  }
0x26: {  	[smem:$0x3F9C] =	sst s1;
	(tag) =	ssettag s2;
	_ =	strace s9  }
0x27: {  	s1 =	sld [smem:$0x3FAC]  }
0x28: {  	s2 =	sld [smem:$0x3FAD]  }
0x29: {  	s4 =	sld [smem:$0x3FAF]  }
0x2a: {  	p0 =	seq.s32 s5, $0x0;
	s5 =	sld [smem:$0x3FB0]  }
0x2b: {  	s6 =	sld [smem:$0x3FB1]  }
0x2c: {  	s7 =	sld [smem:$0x3FB2]  }
0x2d: {  	s3 =	simm.s32 $0x108;
	s8 =	sld [smem:$0x3FB3]  }
0x2e: {  	s3 =	simm.s32 @!p0 $0x1082;
	s9 =	sld [smem:$0x3FB4]  }
0x2f: {  	lr =	sadd.s32 s0, s3;
	s0 =	sld [smem:$0x3FAB]  }
0x30: {  	s3 =	sld [smem:$0x3FAE]  }
0x31: {  	[smem:$0x3FB7] =	sst s10  }
0x32: {  	s10 =	sld [smem:$0x3FB5];
	_ =	sdelay $0x3  }
0x33: {  	p0 =	seq.s32 s10, $0x1;
	s10 =	sld [smem:$0x3FB7];
	_ =	sdelay $0x3  }
0x34: {  	[smem:$0x3FB7] =	sst s10  }
0x35: {  	s10 =	sld [smem:$0x3FB6];
	_ =	sdelay $0x3  }
0x36: {  	p1 =	seq.s32 s10, $0x1;
	s10 =	sld [smem:$0x3FB7];
	_ =	sdelay $0x3  }
0x37: {  	[smem:$0x3FB7] =	sst s10  }
0x38: {  	s10 =	sld [smem:$0x3FB8]  }
0x39: {  	_ = 	snop;
	(pc) =	sbr.ind lr, $3  }
0x3a: {  	_ = 	snop  }
0x3b: {  	_ = 	snop  }
0x3c: {  	p2 =	seq.s32 s10, $0x1;
	s10 =	sld [smem:$0x3FB7]  }
0x3d: {  	_ =	shalt  }
0x3e: {  	_ =	shalt  }
0x3f: {  	_ =	shalt  }
0x40: {  	_ =	shalt  }
0x41: {  	_ =	shalt  }
0x42: {  	_ =	shalt  }
0x43: {  	_ =	shalt  }
0x44: {  	_ =	shalt  }
0x45: {  	_ =	shalt  }
0x46: {  	_ =	shalt  }
0x47: {  	_ =	shalt  }
0x48: {  	_ =	shalt  }
0x49: {  	_ =	shalt  }
0x4a: {  	_ =	shalt  }
0x4b: {  	_ =	shalt  }
0x4c: {  	_ =	shalt  }
0x4d: {  	_ =	shalt  }
0x4e: {  	_ =	shalt  }
0x4f: {  	_ =	shalt  }
0x50: {  	_ =	shalt  }
0x51: {  	_ =	shalt  }
0x52: {  	_ =	shalt  }
0x53: {  	_ =	shalt  }
0x54: {  	_ =	shalt  }
0x55: {  	_ =	shalt  }
0x56: {  	_ =	shalt  }
0x57: {  	_ =	shalt  }
0x58: {  	_ =	shalt  }
0x59: {  	_ =	shalt  }
0x5a: {  	_ =	shalt  }
0x5b: {  	_ =	shalt  }
0x5c: {  	_ =	shalt  }
0x5d: {  	_ =	shalt  }
0x5e: {  	_ =	shalt  }
0x5f: {  	_ =	shalt  }
0x60: {  	_ =	shalt  }
0x61: {  	_ =	shalt  }
0x62: {  	_ =	shalt  }
0x63: {  	_ =	shalt  }
0x64: {  	_ =	shalt  }
0x65: {  	_ =	shalt  }
0x66: {  	_ =	shalt  }
0x67: {  	_ =	shalt  }
0x68: {  	_ =	shalt  }
0x69: {  	_ =	shalt  }
0x6a: {  	_ =	shalt  }
0x6b: {  	_ =	shalt  }
0x6c: {  	_ =	shalt  }
0x6d: {  	_ =	shalt  }
0x6e: {  	_ =	shalt  }
0x6f: {  	_ =	shalt  }
0x70: {  	_ =	shalt  }
0x71: {  	_ =	shalt  }
0x72: {  	_ =	shalt  }
0x73: {  	_ =	shalt  }
0x74: {  	_ =	shalt  }
0x75: {  	_ =	shalt  }
0x76: {  	_ =	shalt  }
0x77: {  	_ =	shalt  }
0x78: {  	_ =	shalt  }
0x79: {  	_ =	shalt  }
0x7a: {  	_ =	shalt  }
0x7b: {  	_ =	shalt  }
0x7c: {  	_ =	shalt  }
0x7d: {  	_ =	shalt  }
0x7e: {  	_ =	shalt  }
0x7f: {  	_ =	shalt  }
0x80: {  	_ =	shalt  }
0x81: {  	_ =	shalt  }
0x82: {  	_ =	shalt  }
0x83: {  	_ =	shalt  }
0x84: {  	_ =	shalt  }
0x85: {  	_ =	shalt  }
0x86: {  	_ =	shalt  }
0x87: {  	_ =	shalt  }
.Lfunc_end0:
.L_simem_size_0:
called_computation_lowered:
.L_overlay_start_0:
0x88: {  	s2 =	sld [smem:$0x3FD9]  }
0x89: {  	s3 =	sld [smem:$0x3FFE];
	_ =	sdelay $0x1  }
0x8a: {  	s1 =	srdreg.scid  }
0x8b: {  	s0 =	sand.u32 $0x1, s1  }
0x8c: {  	s16 =	sshll.u32 s0, $0xA;
	s2 =	sadd.s32 s3, s2  }
0x8d: {  	s2 =	sadd.s32 s2, s16  }
0x8e: {  	[smem:$0x3FC3] =	sst s2  }
0x8f: {  	_ = 	snop  }
0x90: {  	(tm) =	ssettm $0x1  }
0x91: {  	s17 =	sld [smem:$0x3FFB];
	_ =	sdelay $0x3  }
0x92: {  	_ =	strace s17  }
0x93: {  	s2 =	sld [smem:$0x3FFC];
	_ =	sdelay $0x3  }
0x94: {  	_ =	strace s2  }
0x95: {  	s2 =	sld [smem:$0x3FFD];
	_ =	sdelay $0x3  }
0x96: {  	_ =	strace s2  }
0x97: {  	_ =	strace $0x8FFFFFFF  }
0x98: {  	s18 =	sld [smem:$0x3FDB];
	_ =	sdelay $0x1  }
0x99: {  	s19 =	simm.s32 $_scs_section_size  }
0x9a: {  	s4 =	simm.s32 $_size__tile_overlayer_lowered;
	s5 =	simm.s32 $_tile_overlayer_lowered  }
0x9b: {  	s22 =	simm.s32 $0x1BFF;
	s21 =	sshll.u32 s5, $0x1;
	s2 =	sadd.s32 s19, s18  }
0x9c: {  	s6 =	simm.s32 $0x0;
	s20 =	sshll.u32 s4, $0x1;
	s4 =	sadd.s32 s21, s2  }
0x9d: {  	[timem:s6], [sflag:s22] =	dma.local [hbm:s4], s20  }
0x9e: {  	_ =	swait.ge [sflag:s22], s20  }
0x9f: {  	s3 =	ssub.s32 $0x0, s20;
	[sflag:s22] =	ssyncset.done $0x0  }
0xa0: {  	[sflag:s22] =	ssyncadd.s32 s3;
	_ =	sdelay $0x1  }
0xa1: {  	s23 =	simm.s32 $0x1B8B  }
0xa2: {  	_ =	swait.ge [sflag:s23], $0x1  }
0xa3: {  	[sflag:s23] =	ssyncset.done $0x0  }
0xa4: {  	s25 =	simm.s32 $0x1B8E;
	s24 =	sld [smem:$0x3FFE];
	[sflag:s23] =	ssyncadd.s32 $0xFFFFFFFF  }
0xa5: {  	s26 =	simm.s32 $execute0_lowered;
	[smem:$0x3FD2] =	sst s25  }
0xa6: {  	s4 =	sshll.u32 s26, $0x1;
	_ =	strace $0x80000046;
	[dreg:$0x1] =	wrdreg $0xFFFFFFFF  }
0xa7: {  	s28 =	simm.s32 $_size_execute0_lowered;
	s2 =	sadd.s32 s2, s4;
	[dreg:$0x0] =	wrdreg $0x0  }
0xa8: {  	s4 =	sshll.u32 s28, $0x1;
	[dreg:$0x2] =	wrdreg s2  }
0xa9: {  	[dreg:$0x3] =	wrdreg s4  }
0xaa: {  	[dreg:$0x4] =	wrdreg $0xC0  }
0xab: {  	_ =	task [dreg:s6], $0x5FFFF  }
0xac: {  	[dreg:$0x1] =	wrdreg $0xFFFFFFFF  }
0xad: {  	[dreg:$0x0] =	wrdreg $0x60  }
0xae: {  	[dreg:$0x2] =	wrdreg s24  }
0xaf: {  	[dreg:$0x3] =	wrdreg $0x9  }
0xb0: {  	_ =	task.clear_ibuf [dreg:s6], $0x4FFFF;
	_ =	strace $0x90000046  }
0xb1: {  	s29 =	simm.s32 $0x9;
	_ =	strace $0x80000048  }
0xb2: {  	_ =	swait.ge [sflag:s29], $0x1  }
0xb3: {  	[sflag:s29] =	ssyncadd.s32 $0xFFFFFFFF  }
0xb4: {  	_ =	strace $0x90000048  }
0xb5: {  	_ =	sfence  }
0xb6: {  	s30 =	sld [smem:$0x0];
	_ =	sdelay $0x2  }
0xb7: {  	s31 =	sshll.u32 s1, $0xD;
	s1 =	sshrl.u32 s1, $0x2  }
0xb8: {  	s3 =	sand.u32 $0x4000, s31;
	s1 =	sadd.s32 s1, s30  }
0xb9: {  	s0 =	sor.u32 s3, s0;
	s1 =	sshll.u32 s1, $0x11  }
0xba: {  	s0 =	sor.u32 s1, s0  }
0xbb: {  	s0 =	sadd.s32 $0x8F2B, s0  }
0xbc: {  	[sflag:s0] =	ssyncadd.remote.s32 $0x1  }
0xbd: {  	_ =	sfence.sel $0xFFFF  }
0xbe: {  	[dreg:$0x0] =	wrdreg $0xFFFFFFFF;
	(pc) =	sbr.abs _section_cstart, $3  }
0xbf: {  	[dreg:$0x1] =	wrdreg $0xFFFFFFFF  }
0xc0: {  	_ =	task.clear_ibuf [dreg:s6], $0x2FFFF;
	_ =	strace $0x9FFFFFFF  }
0xc1: {  	(tm) =	ssettm $0x7FFFFFFF  }
tec
execute0_lowered:
.L_overlay_start_1:
0x0: {  	(tag) =	ssettag $0x1  }
0x1: {  	s3 =	rddreg [dreg:$0x0]  }
0x2: {  	s0 =	rddreg [dreg:$0x1];
	s4 =	srdreg.scid  }
0x3: {  	s2 =	simm.s32 $0x0;
	s1 =	stileid.u32;
	s4 =	sand.u32 $0x1, s4  }
0x4: {  	s7 =	simm.s32 $0x4000;
	s5 =	sshll.u32 s1, $0xC;
	s6 =	sshll.u32 s4, $0xB  }
0x5: {  	s8 =	simm.s32 $0x0;
	s4 =	ssub.s32 $0x2, s4;
	s5 =	sor.u32 s6, s5  }
0x6: {  	[smem:$0x7FF] =	sst s2;
	s31 =	sshrl.u32 s4, $0x1;
	s5 =	sadd.s32 s5, s3  }
0x7: {  	v0 =	vlaneseq.u32;
	_ =	strace $0x80000047;
	s6 =	ssub.s32 s4, s31;
	s3 =	sadd.s32 $0xA00, s5  }
0x8: {  	v1 =	vimm.s32 $0x0;
	v2 =	vimm.s32 $0xF;
	vm0 =	vmmov $0x1;
	s4 =	sadd.s32 $0x10A00, s5;
	s5 =	smax.u32 s6, $0x1;
	s6 =	simm.s32 $0x1  }
.LBB2_1:
0x9: {  	[tilespmem:s2], [sflag:$0x1] =	stream.linear.gather [hbm4b:s3+s2], $0x4000, $0x38;
	[tilespmem:$0x8000] =	vst v63  }
0xa: {  	_ =	swait.ge [sflag:s6], $0x4000  }
0xb: {  	[sflag:s6] =	ssyncset.done $0x0  }
0xc: {  	s10 =	simm.s32 $0x0;
	[sflag:s6] =	ssyncadd.s32 $0xFFFFC000  }
0xd: {  	v3 =	vld [tilespmem:s10+$0x180];
	_ =	sdelay $0x4  }
0xe: {  	(xrf1) =	vsort.dscd.msk.f32 $0xffff, v3, v0;
	_ =	sdelay $0x5  }
0xf: {  	v3 =	vld [tilespmem:s10+$0x0];
	_ =	sdelay $0x4  }
0x10: {  	v4 =	vld [tilespmem:s10+$0x80];
	(xrf1) =	vsort.dscd.msk.f32 $0xffff, v3, v0  }
0x11: {  	v5 =	vld [tilespmem:s10+$0x100];
	_ =	sdelay $0x1  }
0x12: {  	v3, v6, _ =	vpop (xrf1)  }
0x13: {  	v7 =	vperm.xlane v3, v1  }
0x14: {  	(xrf1) =	vsort.dscd.msk.f32 $0xffff, v4, v0  }
0x15: {  	(xrf1) =	vsort.dscd.msk.f32 $0xffff, v5, v0;
	v3 =	vsub.f32 v3, v7;
	_ =	sdelay $0x1  }
0x16: {  	s9 =	simm.s32 $0x200;
	v3 =	vmul.f32 $1.111111160e+00, v3  }
0x17: {  	v4 =	vld [tilespmem:s9+$0x180]  }
0x18: {  	v3 =	vmul.f32 $1.442695020e+00, v3;
	_ =	sdelay $0x3  }
0x19: {  	(xrf1) =	vsort.dscd.msk.f32 $0xffff, v4, v0;
	(erf) = vpow2.f32 v3;
	v3, v4, _ =	vpop (xrf1)  }
0x1a: {  	v7 =	vperm.xlane v3, v1;
	_ =	sdelay $0x3  }
0x1b: {  	v8, v5, _ =	vpop (xrf1)  }
0x1c: {  	v3 =	vsub.f32 v3, v7;
	v10, v7, _ =	vpop (xrf1)  }
0x1d: {  	v12 =	vperm.xlane v10, v1  }
0x1e: {  	v9 =	vperm.xlane v8, v1  }
0x1f: {  	v11 =	vld [tilespmem:s9+$0x0];
	v3 =	vmul.f32 $1.111111160e+00, v3;
	v13 =	vpop (erf);
	v10 =	vsub.f32 v10, v12  }
0x20: {  	v8 =	vsub.f32 v8, v9;
	(xrf2) =	vadd.scan.msk.f32 $0xffff, v13  }
0x21: {  	v9 =	vld [tilespmem:s9+$0x80];
	v3 =	vmul.f32 $1.442695020e+00, v3;
	v10 =	vmul.f32 $1.111111160e+00, v10  }
0x22: {  	v8 =	vmul.f32 $1.111111160e+00, v8  }
0x23: {  	(erf) = vpow2.f32 v3;
	v3 =	vmul.f32 $1.442695020e+00, v10  }
0x24: {  	(xrf1) =	vsort.dscd.msk.f32 $0xffff, v11, v0;
	v8 =	vmul.f32 $1.442695020e+00, v8;
	v12 =	vld [tilespmem:s9+$0x100];
	_ =	sdelay $0x1  }
0x25: {  	(xrf1) =	vsort.dscd.msk.f32 $0xffff, v9, v0;
	(erf) = vpow2.f32 v8  }
0x26: {  	(erf) = vpow2.f32 v3;
	v3, v11, _ =	vpop (xrf1)  }
0x27: {  	v8 =	vperm.xlane v3, v1  }
0x28: {  	(xrf1) =	vsort.dscd.msk.f32 $0xffff, v12, v0  }
0x29: {  	v9, _, _ =	vpop (xrf2);
	v3 =	vsub.f32 v3, v8  }
0x2a: {  	v8 =	vperm.xlane v9, v2  }
0x2b: {  	v3 =	vmul.f32 $1.111111160e+00, v3  }
0x2c: {  	v8 =	vmul.f32 $8.000000110e-01, v8  }
0x2d: {  	v3 =	vmul.f32 $1.442695020e+00, v3  }
0x2e: {  	v14 =	vpop (erf)  }
0x2f: {  	v18 =	vpop (erf)  }
0x30: {  	s11 =	simm.s32 $0x400;
	(xrf2) =	vadd.scan.msk.f32 $0xffff, v14;
	v19 =	vpop (erf)  }
0x31: {  	v10 =	vld [tilespmem:s11+$0x180];
	vm1 =	vle.f32 v9, v8;
	(erf) = vpow2.f32 v3;
	v3, v8, _ =	vpop (xrf1)  }
0x32: {  	(xrf2) =	vadd.scan.msk.f32 $0xffff, v18;
	vm1 =	vmor vm1, vm0;
	v12 =	vperm.xlane v3, v1  }
0x33: {  	(xrf2) =	vadd.scan.msk.f32 $0xffff, v19;
	v17 =	vnsel vm1, $0x0, v13;
	v13, v9, _ =	vpop (xrf1)  }
0x34: {  	(xrf2) =	vadd.scan.msk.f32 $0xffff, v17;
	v15 =	vperm.xlane v13, v1  }
0x35: {  	v3 =	vsub.f32 v3, v12  }
0x36: {  	(xrf1) =	vsort.dscd.msk.f32 $0xffff, v10, v0;
	v13 =	vsub.f32 v13, v15;
	v12, v10, _ =	vpop (xrf1)  }
0x37: {  	v16 =	vld [tilespmem:s11+$0x0];
	v3 =	vmul.f32 $1.111111160e+00, v3;
	v20 =	vperm.xlane v12, v1  }
0x38: {  	v13 =	vmul.f32 $1.111111160e+00, v13  }
0x39: {  	v3 =	vmul.f32 $1.442695020e+00, v3;
	v12 =	vsub.f32 v12, v20  }
0x3a: {  	v15, _, _ =	vpop (xrf2);
	v13 =	vmul.f32 $1.442695020e+00, v13  }
0x3b: {  	v21 =	vpop (erf);
	v12 =	vmul.f32 $1.111111160e+00, v12  }
0x3c: {  	(xrf1) =	vsort.dscd.msk.f32 $0xffff, v16, v0;
	v22, _, _ =	vpop (xrf2)  }
0x3d: {  	v16 =	vld [tilespmem:s11+$0x80];
	(xrf2) =	vadd.scan.msk.f32 $0xffff, v21;
	(erf) = vpow2.f32 v3;
	v3, _, _ =	vpop (xrf2);
	v12 =	vmul.f32 $1.442695020e+00, v12  }
0x3e: {  	(erf) = vpow2.f32 v13;
	v13, _, _ =	vpop (xrf2)  }
0x3f: {  	(erf) = vpow2.f32 v12;
	v12 =	vperm.xlane v13, v2  }
0x40: {  	v20 =	vld [tilespmem:s11+$0x100]  }
0x41: {  	(erf) = vrcp.f32 v12  }
0x42: {  	(xrf1) =	vsort.dscd.msk.f32 $0xffff, v16, v0;
	_ =	sdelay $0x1  }
0x43: {  	v13 =	vperm.xlane v15, v2  }
0x44: {  	(xrf1) =	vsort.dscd.msk.f32 $0xffff, v20, v0;
	v12, v20, _ =	vpop (xrf1)  }
0x45: {  	v24 =	vmul.f32 $8.000000110e-01, v13;
	v23 =	vpop (erf);
	v16 =	vperm.xlane v12, v1  }
0x46: {  	v25, _, _ =	vpop (xrf2)  }
0x47: {  	vm1 =	vle.f32 v15, v24;
	v13 =	vpop (erf);
	v16 =	vsub.f32 v12, v16  }
0x48: {  	v27 =	vperm.xlane v22, v2;
	vm1 =	vmor vm1, vm0;
	v12 =	vpop (erf)  }
0x49: {  	v26 =	vperm.xlane v25, v2;
	v15 =	vnsel vm1, $0x0, v14;
	v24 =	vmul.f32 $1.111111160e+00, v16;
	v14 =	vpop (erf)  }
0x4a: {  	(xrf2) =	vadd.scan.msk.f32 $0xffff, v23;
	v14 =	vmul.f32 v17, v14;
	v17 =	vmul.f32 $8.000000110e-01, v27  }
0x4b: {  	(xrf2) =	vadd.scan.msk.f32 $0xffff, v13;
	v26 =	vmul.f32 $8.000000110e-01, v26;
	v24 =	vmul.f32 $1.442695020e+00, v24  }
0x4c: {  	v28, v16, _ =	vpop (xrf1)  }
0x4d: {  	s12 =	simm.s32 $0x600;
	vm1 =	vle.f32 v25, v26;
	(xrf2) =	vadd.scan.msk.f32 $0xffff, v12;
	v30 =	vperm.xlane v28, v1;
	(erf) = vpow2.f32 v24  }
0x4e: {  	v6 =	vxor.u32 $0x80000000, v6;
	v29 =	vperm.xlane v3, v2;
	v25 =	vld [tilespmem:s12+$0x180];
	vm1 =	vmor vm1, vm0  }
0x4f: {  	(xrf1) =	vsort.ascd.msk.u32 $0xffff, v6, v14;
	v14 =	vnsel vm1, $0x0, v21;
	vm1 =	vle.f32 v22, v17;
	v24 =	vsub.f32 v28, v30;
	v22, v17, _ =	vpop (xrf1)  }
0x50: {  	(xrf2) =	vadd.scan.msk.f32 $0xffff, v15;
	v6 =	vmul.f32 $8.000000110e-01, v29;
	v28 =	vld [tilespmem:s12+$0x0];
	v26 =	vperm.xlane v22, v1  }
0x51: {  	(xrf2) =	vadd.scan.msk.f32 $0xffff, v14;
	vm1 =	vmor vm1, vm0;
	v24 =	vmul.f32 $1.111111160e+00, v24  }
0x52: {  	vm2 =	vle.f32 v3, v6;
	v18 =	vnsel vm1, $0x0, v18;
	v27, v21, _ =	vpop (xrf1);
	v22 =	vsub.f32 v22, v26  }
0x53: {  	(xrf1) =	vsort.dscd.msk.f32 $0xffff, v25, v0;
	vm1 =	vmor vm2, vm0;
	v3 =	vperm.xlane v27, v1;
	v6 =	vmul.f32 $1.442695020e+00, v24  }
0x54: {  	v25, _, _ =	vpop (xrf2);
	(xrf2) =	vadd.scan.msk.f32 $0xffff, v18;
	v19 =	vnsel vm1, $0x0, v19  }
0x55: {  	(xrf1) =	vsort.dscd.msk.f32 $0xffff, v28, v0;
	v3 =	vsub.f32 v27, v3;
	(erf) = vpow2.f32 v6;
	v27, _, _ =	vpop (xrf2);
	v6 =	vmul.f32 $1.111111160e+00, v22  }
0x56: {  	v24 =	vld [tilespmem:s12+$0x80];
	(xrf2) =	vadd.scan.msk.f32 $0xffff, v19;
	v22 =	vpop (erf)  }
0x57: {  	v26 =	vld [tilespmem:s12+$0x100];
	v28, _, _ =	vpop (xrf2);
	v3 =	vmul.f32 $1.111111160e+00, v3;
	v6 =	vmul.f32 $1.442695020e+00, v6;
	(xrf2) =	vadd.scan.msk.f32 $0xffff, v22;
	_ =	sdelay $0x1  }
0x58: {  	v3 =	vmul.f32 $1.442695020e+00, v3;
	(erf) = vpow2.f32 v6  }
0x59: {  	v29, _, _ =	vpop (xrf2)  }
0x5a: {  	(xrf1) =	vsort.dscd.msk.f32 $0xffff, v24, v0;
	(erf) = vpow2.f32 v3;
	v6, _, _ =	vpop (xrf2)  }
0x5b: {  	(xrf1) =	vsort.dscd.msk.f32 $0xffff, v26, v0;
	v3 =	vperm.xlane v6, v2;
	v6 =	vperm.xlane v27, v2  }
0x5c: {  	_, v24, _ =	vpop (xrf1)  }
0x5d: {  	v30, _, _ =	vpop (xrf2);
	(erf) = vrcp.f32 v3;
	v3 =	vperm.xlane v25, v2  }
0x5e: {  	v26 =	vpop (erf)  }
0x5f: {  	v32 =	vmul.f32 $8.000000110e-01, v6;
	v6, _, _ =	vpop (xrf2)  }
0x60: {  	v29 =	vperm.xlane v29, v2;
	v31 =	vmul.f32 $8.000000110e-01, v3;
	v35, _, _ =	vpop (xrf2)  }
0x61: {  	v30 =	vperm.xlane v30, v2;
	v36 =	vpop (erf)  }
0x62: {  	(erf) = vrcp.f32 v29;
	v33, v3, _ =	vpop (xrf1);
	v29 =	vperm.xlane v35, v2  }
0x63: {  	(xrf2) =	vadd.scan.msk.f32 $0xffff, v26;
	v34 =	vperm.xlane v33, v1  }
0x64: {  	v6 =	vperm.xlane v6, v2;
	vm1 =	vle.f32 v25, v31;
	v31 =	vpop (erf);
	v29 =	vmul.f32 $8.000000110e-01, v29  }
0x65: {  	(xrf2) =	vadd.scan.msk.f32 $0xffff, v36;
	(erf) = vrcp.f32 v30;
	vm1 =	vmor vm1, vm0;
	v30, v47, _ =	vpop (xrf1);
	v25 =	vsub.f32 v33, v34  }
0x66: {  	(erf) = vrcp.f32 v6;
	v6 =	vnsel vm1, $0x0, v23;
	v23 =	vperm.xlane v30, v1;
	(xrf2) =	vadd.scan.msk.f32 $0xffff, v31  }
0x67: {  	v11 =	vxor.u32 $0x80000000, v11;
	[tilespmem:s10+$0x4180] =	vst v24;
	v24 =	vpop (erf);
	vm1 =	vle.f32 v35, v29;
	v25 =	vmul.f32 $1.111111160e+00, v25  }
0x68: {  	v48, v37, _ =	vpop (xrf1);
	v23 =	vsub.f32 v30, v23;
	v14 =	vmul.f32 v14, v24;
	vm1 =	vmor vm1, vm0  }
0x69: {  	s13 =	simm.s32 $0x800;
	(xrf2) =	vadd.scan.msk.f32 $0xffff, v6;
	v30 =	vperm.xlane v48, v1;
	v22 =	vnsel vm1, $0x0, v22;
	v24, v29, _ =	vpop (xrf1);
	v25 =	vmul.f32 $1.442695020e+00, v25  }
0x6a: {  	vm1 =	vle.f32 v27, v32;
	(xrf1) =	vsort.ascd.msk.u32 $0xffff, v11, v14;
	v14 =	vmul.f32 $1.111111160e+00, v23;
	v23 =	vld [tilespmem:s13+$0x180];
	v11 =	vperm.xlane v24, v1  }
0x6b: {  	v27 =	vsub.f32 v48, v30;
	(xrf2) =	vadd.scan.msk.f32 $0xffff, v22;
	(erf) = vpow2.f32 v25;
	v25 =	vperm.xlane v28, v2  }
0x6c: {  	v49 =	vld [tilespmem:s13+$0x0];
	vm1 =	vmor vm1, vm0;
	v14 =	vmul.f32 $1.442695020e+00, v14;
	v24 =	vsub.f32 v24, v11  }
0x6d: {  	v30, _, _ =	vpop (xrf2);
	v11 =	vnsel vm1, $0x0, v13;
	v13 =	vmul.f32 $1.111111160e+00, v27;
	v25 =	vmul.f32 $8.000000110e-01, v25  }
0x6e: {  	v50 =	vpop (erf);
	(erf) = vpow2.f32 v14;
	(xrf2) =	vadd.scan.msk.f32 $0xffff, v11;
	v24 =	vmul.f32 $1.111111160e+00, v24  }
0x6f: {  	v51 =	vld [tilespmem:s13+$0x80];
	v27, _, _ =	vpop (xrf2);
	v13 =	vmul.f32 $1.442695020e+00, v13;
	(xrf1) =	vsort.dscd.msk.f32 $0xffff, v23, v0;
	vm1 =	vle.f32 v28, v25  }
0x70: {  	v39, _, _ =	vpop (xrf2);
	vm1 =	vmor vm1, vm0;
	v24 =	vmul.f32 $1.442695020e+00, v24  }
0x71: {  	v23 =	vld [tilespmem:s13+$0x100];
	v28 =	vpop (erf);
	(xrf1) =	vsort.dscd.msk.f32 $0xffff, v49, v0;
	(erf) = vpow2.f32 v13;
	v14 =	vnsel vm1, $0x0, v12  }
0x72: {  	v38 =	vpop (erf);
	(erf) = vpow2.f32 v24;
	(xrf2) =	vadd.scan.msk.f32 $0xffff, v14  }
0x73: {  	v52 =	vxor.u32 $0x80000000, v4;
	v25, _, _ =	vpop (xrf2)  }
0x74: {  	v40 =	vxor.u32 $0x80000000, v5;
	v41 =	vxor.u32 $0x80000000, v7;
	v5 =	vperm.xlane v30, v2;
	(xrf1) =	vsort.dscd.msk.f32 $0xffff, v51, v0;
	v53 =	vpop (erf)  }
0x75: {  	v12 =	vxor.u32 $0x80000000, v9;
	v9 =	vxor.u32 $0x80000000, v21;
	v21 =	vperm.xlane v27, v2;
	v4, _, _ =	vpop (xrf2);
	(xrf2) =	vadd.scan.msk.f32 $0xffff, v53  }
0x76: {  	v7 =	vxor.u32 $0x80000000, v16;
	v24 =	vmul.f32 $8.000000110e-01, v5;
	(xrf1) =	vsort.dscd.msk.f32 $0xffff, v23, v0;
	v16 =	vperm.xlane v4, v2  }
0x77: {  	v10 =	vxor.u32 $0x80000000, v10;
	v15 =	vmul.f32 v15, v50;
	v23 =	vpop (erf)  }
0x78: {  	v62 =	vxor.u32 $0x80000000, v20;
	v21 =	vmul.f32 $8.000000110e-01, v21;
	(erf) = vrcp.f32 v16;
	_, v54, _ =	vpop (xrf1)  }
0x79: {  	v13 =	vxor.u32 $0x80000000, v8;
	vm1 =	vle.f32 v30, v24;
	v16 =	vperm.xlane v39, v2;
	(xrf2) =	vadd.scan.msk.f32 $0xffff, v23;
	v30, _, _ =	vpop (xrf2)  }
0x7a: {  	v5 =	vxor.u32 $0x80000000, v29;
	v29 =	vperm.xlane v25, v2;
	vm1 =	vmor vm1, vm0;
	v24 =	vpop (erf)  }
0x7b: {  	v55 =	vmul.f32 $8.000000110e-01, v16;
	v16 =	vnsel vm1, $0x0, v26;
	v26 =	vmul.f32 v18, v28;
	v25 =	vpop (erf)  }
0x7c: {  	vm2 =	vle.f32 v27, v21;
	(xrf2) =	vadd.scan.msk.f32 $0xffff, v24;
	(erf) = vrcp.f32 v29;
	v29 =	vperm.xlane v30, v2;
	v27, _, _ =	vpop (xrf2)  }
0x7d: {  	vm1 =	vmor vm2, vm0;
	v28 =	vmul.f32 v19, v38;
	v30, v21, _ =	vpop (xrf1);
	(xrf1) =	vsort.ascd.msk.u32 $0xffff, v52, v15;
	v27 =	vperm.xlane v27, v2  }
0x7e: {  	v18 =	vnsel vm1, $0x0, v36;
	vm2 =	vle.f32 v39, v55;
	(erf) = vrcp.f32 v29  }
0x7f: {  	vm1 =	vmor vm2, vm0;
	(xrf2) =	vadd.scan.msk.f32 $0xffff, v25;
	v56 =	vperm.xlane v30, v1;
	v57, _, _ =	vpop (xrf2);
	(erf) = vrcp.f32 v27  }
0x80: {  	v8 =	vxor.u32 $0x80000000, v17;
	v19 =	vnsel vm1, $0x0, v31;
	(xrf1) =	vsort.ascd.msk.u32 $0xffff, v40, v26;
	v29, v31, _ =	vpop (xrf1);
	v58 =	vperm.xlane v57, v2  }
0x81: {  	v17 =	vxor.u32 $0x80000000, v37;
	v30 =	vsub.f32 v30, v56;
	v59 =	vpop (erf);
	(xrf1) =	vsort.ascd.msk.u32 $0xffff, v41, v28;
	v27 =	vperm.xlane v29, v1  }
0x82: {  	(xrf2) =	vadd.scan.msk.f32 $0xffff, v16;
	v15 =	vxor.u32 $0x80000000, v31;
	v31, v60, _ =	vpop (xrf1);
	v22 =	vmul.f32 v22, v59;
	v33 =	vmul.f32 $8.000000110e-01, v58  }
0x83: {  	v4 =	vxor.u32 $0x80000000, v47;
	v61 =	vperm.xlane v31, v1;
	v30 =	vmul.f32 $1.111111160e+00, v30;
	v38, _, _ =	vpop (xrf2)  }
0x84: {  	v20 =	vxor.u32 $0x80000000, v60;
	v28, v26, _ =	vpop (xrf1);
	v63 =	vsub.f32 v29, v27;
	(xrf1) =	vsort.ascd.msk.u32 $0xffff, v62, v22;
	vm1 =	vle.f32 v57, v33  }
0x85: {  	v29 =	vperm.xlane v28, v1;
	v32 =	vmul.f32 $1.442695020e+00, v30;
	v27 =	vpop (erf);
	vm1 =	vmor vm1, vm0  }
0x86: {  	s14 =	simm.s32 $0xA00;
	s15 =	simm.s32 $0x3000;
	[tilespmem:s9+$0x4180] =	vst v54;
	v31 =	vsub.f32 v31, v61;
	v30 =	vmul.f32 $1.111111160e+00, v63;
	v39, _, _ =	vpop (xrf2);
	v22 =	vnsel vm1, $0x0, v53  }
.LBB2_2:
0x87: {  	p0 =	sne.s32 s15, $0xF800;
	v33 =	vld [tilespmem:s14+$0x180];
	v28 =	vsub.f32 v28, v29;
	(erf) = vpow2.f32 v32;
	v29 =	vperm.xlane v38, v2;
	(xrf2) =	vadd.scan.msk.f32 $0xffff, v22;
	v32 =	vpop (erf)  }
0x88: {  	v26 =	vxor.u32 $0x80000000, v26;
	v34 =	vld [tilespmem:s14+$0x0];
	v46 =	vmul.f32 $1.442695020e+00, v30;
	v31 =	vmul.f32 $1.111111160e+00, v31;
	v35 =	vpop (erf)  }
0x89: {  	v37 =	vperm.xlane v39, v2;
	v41 =	vmov v9;
	v36 =	vld [tilespmem:s14+$0x80];
	v28 =	vmul.f32 $1.111111160e+00, v28;
	v40, _, _ =	vpop (xrf2)  }
0x8a: {  	v9 =	vmovc v5;
	v5 =	vmov v26;
	v42 =	vld [tilespmem:s14+$0x100];
	v44 =	vmul.f32 $1.442695020e+00, v31;
	(erf) = vpow2.f32 v46;
	(xrf2) =	vadd.scan.msk.f32 $0xffff, v18  }
0x8b: {  	v43 =	vmov v3;
	v45 =	vperm.xlane v40, v2;
	v26 =	vmul.f32 $1.442695020e+00, v28;
	_, v30, _ =	vpop (xrf1)  }
0x8c: {  	v29 =	vmul.f32 $8.000000110e-01, v29;
	(xrf1) =	vsort.dscd.msk.f32 $0xffff, v33, v0;
	(erf) = vpow2.f32 v44;
	v31, _, _ =	vpop (xrf2);
	[tilespmem:s10+$0x4000] =	vst v30  }
0x8d: {  	v3 =	vmovc v21;
	v30 =	vmov v17;
	(erf) = vpow2.f32 v26;
	v26 =	vmul.f32 $8.000000110e-01, v37;
	(xrf2) =	vadd.scan.msk.f32 $0xffff, v19  }
0x8e: {  	vm1 =	vle.f32 v38, v29;
	v17 =	vmul.f32 $8.000000110e-01, v45;
	v21 =	vperm.xlane v31, v2;
	(xrf1) =	vsort.dscd.msk.f32 $0xffff, v34, v0;
	_, v28, _ =	vpop (xrf1)  }
0x8f: {  	vm1 =	vmor vm1, vm0;
	vm2 =	vle.f32 v39, v26;
	v26 =	vmul.f32 v6, v27;
	[tilespmem:s10+$0x4080] =	vst v28;
	_, v27, _ =	vpop (xrf1)  }
0x90: {  	v28 =	vnsel vm1, $0x0, v23;
	(xrf1) =	vsort.dscd.msk.f32 $0xffff, v36, v0;
	v33 =	vpop (erf);
	vm1 =	vmor vm2, vm0;
	vm2 =	vle.f32 v40, v17  }
0x91: {  	v29 =	vmul.f32 v11, v32;
	(xrf2) =	vadd.scan.msk.f32 $0xffff, v33;
	v17 =	vnsel vm1, $0x0, v24;
	vm1 =	vmor vm2, vm0;
	v23, _, _ =	vpop (xrf2)  }
0x92: {  	v31 =	vmul.f32 v14, v35;
	(xrf1) =	vsort.dscd.msk.f32 $0xffff, v42, v0;
	v25 =	vnsel vm1, $0x0, v25;
	v32 =	vperm.xlane v23, v2;
	_, v6, _ =	vpop (xrf1)  }
0x93: {  	v11 =	vmov v18;
	v23 =	vpop (erf);
	[tilespmem:s11+$0x4180] =	vst v6;
	v6 =	vmov v16;
	v16 =	vmov v28  }
0x94: {  	v14 =	vmov v19;
	v18 =	vmov v17;
	(erf) = vrcp.f32 v32;
	v28, _, _ =	vpop (xrf2);
	[tilespmem:s10+$0x4100] =	vst v27;
	s10 =	smov.u32 s9;
	s9 =	smov.u32 s11;
	s11 =	smov.u32 s12  }
0x95: {  	v19 =	vmov v25;
	v17 =	vmov v20;
	s12 =	smov.u32 s13;
	s13 =	smov.u32 s14;
	(xrf2) =	vadd.scan.msk.f32 $0xffff, v23;
	v24 =	vpop (erf);
	v27 =	vperm.xlane v28, v2  }
0x96: {  	v25 =	vpop (erf)  }
0x97: {  	v20, _, _ =	vpop (xrf2)  }
0x98: {  	(xrf2) =	vadd.scan.msk.f32 $0xffff, v24;
	v20 =	vperm.xlane v20, v2;
	(erf) = vrcp.f32 v21  }
0x99: {  	(xrf1) =	vsort.ascd.msk.u32 $0xffff, v13, v26;
	v13 =	vmov v7;
	v7 =	vmov v4;
	v4 =	vmov v15  }
0x9a: {  	v26, v21, _ =	vpop (xrf1);
	(erf) = vrcp.f32 v27  }
0x9b: {  	v34 =	vperm.xlane v26, v1;
	(xrf2) =	vadd.scan.msk.f32 $0xffff, v25;
	v32, _, _ =	vpop (xrf2);
	(erf) = vrcp.f32 v20  }
0x9c: {  	v20, v15, _ =	vpop (xrf1);
	v28 =	vperm.xlane v32, v2;
	(xrf1) =	vsort.ascd.msk.u32 $0xffff, v12, v29;
	v12 =	vmov v8;
	v8 =	vmov v30  }
0x9d: {  	v29 =	vperm.xlane v20, v1;
	v15 =	vxor.u32 $0x80000000, v15;
	v39 =	vsub.f32 v26, v34;
	v27 =	vpop (erf);
	(xrf1) =	vsort.ascd.msk.u32 $0xffff, v10, v31  }
.Ltmp0:
0x9e: {  	v10 =	vmov v41;
	v31, v30, _ =	vpop (xrf1);
	v34 =	vmul.f32 $8.000000110e-01, v28;
	v22 =	vmul.f32 v22, v27;
	(xrf2) =	vadd.scan.msk.f32 $0xffff, v16;
	(pc) =	sbr.rel @p0 .LBB2_2-.Ltmp0, $4  }
0x9f: {  	v36 =	vxor.u32 $0x80000000, v43;
	v35 =	vperm.xlane v31, v1;
	v40 =	vmul.f32 $1.111111160e+00, v39;
	v38, _, _ =	vpop (xrf2)  }
0xa0: {  	v37 =	vsub.f32 v20, v29;
	v20 =	vxor.u32 $0x80000000, v30;
	v28, v26, _ =	vpop (xrf1);
	vm1 =	vle.f32 v32, v34;
	(xrf1) =	vsort.ascd.msk.u32 $0xffff, v36, v22  }
0xa1: {  	v29 =	vperm.xlane v28, v1;
	v32 =	vmul.f32 $1.442695020e+00, v40;
	vm1 =	vmor vm1, vm0;
	v27 =	vpop (erf)  }
0xa2: {  	s14 =	sshra.s32 s15, $0x2;
	s15 =	sadd.s32 $0x800, s15;
	v30 =	vmul.f32 $1.111111160e+00, v37;
	v31 =	vsub.f32 v31, v35;
	v22 =	vnsel vm1, $0x0, v33;
	v39, _, _ =	vpop (xrf2)  }
0xa3: {  	v33 =	vld [tilespmem:s14+$0x180];
	_ =	sdelay $0x4  }
0xa4: {  	(xrf1) =	vsort.dscd.msk.f32 $0xffff, v33, v0;
	_ =	sdelay $0x1  }
0xa5: {  	(erf) = vpow2.f32 v32;
	v47 =	vld [tilespmem:s14+$0x0];
	_ =	sdelay $0x1  }
0xa6: {  	v48 =	vld [tilespmem:s14+$0x80]  }
0xa7: {  	(xrf2) =	vadd.scan.msk.f32 $0xffff, v22;
	v34 =	vld [tilespmem:s14+$0x100];
	v28 =	vsub.f32 v28, v29  }
0xa8: {  	v37 =	vpop (erf);
	(xrf2) =	vadd.scan.msk.f32 $0xffff, v18;
	v31 =	vmul.f32 $1.111111160e+00, v31  }
0xa9: {  	v36 =	vpop (erf);
	v35 =	vmul.f32 $1.111111160e+00, v28;
	(xrf1) =	vsort.dscd.msk.f32 $0xffff, v47, v0  }
0xaa: {  	(xrf2) =	vadd.scan.msk.f32 $0xffff, v19;
	v41, _, _ =	vpop (xrf2);
	v31 =	vmul.f32 $1.442695020e+00, v31  }
0xab: {  	_, v29, _ =	vpop (xrf1);
	v35 =	vmul.f32 $1.442695020e+00, v35;
	(xrf1) =	vsort.dscd.msk.f32 $0xffff, v48, v0  }
0xac: {  	v49 =	vmul.f32 $1.442695020e+00, v30;
	_, v30, _ =	vpop (xrf1);
	(xrf1) =	vsort.dscd.msk.f32 $0xffff, v34, v0  }
0xad: {  	v40 =	vpop (erf)  }
0xae: {  	(erf) = vpow2.f32 v49;
	_, v28, _ =	vpop (xrf1);
	(xrf2) =	vadd.scan.msk.f32 $0xffff, v40  }
0xaf: {  	(erf) = vpow2.f32 v31;
	_, v31, _ =	vpop (xrf1)  }
0xb0: {  	v51 =	vperm.xlane v38, v2;
	(erf) = vpow2.f32 v35;
	v53, v35, _ =	vpop (xrf1)  }
0xb1: {  	v52 =	vperm.xlane v39, v2;
	v50, _, _ =	vpop (xrf2);
	v45 =	vperm.xlane v53, v1  }
0xb2: {  	v42, _, _ =	vpop (xrf2)  }
0xb3: {  	v44 =	vmul.f32 $8.000000110e-01, v51;
	v46 =	vmul.f32 $8.000000110e-01, v52;
	v55, _, _ =	vpop (xrf2);
	v34 =	vsub.f32 v53, v45  }
0xb4: {  	v42 =	vperm.xlane v42, v2;
	v33 =	vperm.xlane v55, v2  }
0xb5: {  	v54 =	vperm.xlane v50, v2;
	v34 =	vmul.f32 $1.111111160e+00, v34  }
0xb6: {  	v43 =	vperm.xlane v41, v2;
	v56, _, _ =	vpop (xrf2);
	(erf) = vrcp.f32 v42  }
0xb7: {  	v42 =	vperm.xlane v56, v2;
	(erf) = vrcp.f32 v54;
	v47, v32, _ =	vpop (xrf1)  }
0xb8: {  	(erf) = vrcp.f32 v33;
	v57, _, _ =	vpop (xrf2);
	v50 =	vperm.xlane v47, v1  }
0xb9: {  	vm1 =	vle.f32 v38, v44;
	v49 =	vperm.xlane v57, v2;
	v58, v33, _ =	vpop (xrf1);
	v51 =	vmul.f32 $1.442695020e+00, v34  }
0xba: {  	(erf) = vrcp.f32 v42;
	v52 =	vperm.xlane v58, v1;
	v47 =	vsub.f32 v47, v50;
	v59, v34, _ =	vpop (xrf1)  }
0xbb: {  	vm1 =	vmor vm1, vm0;
	v48 =	vpop (erf);
	v49 =	vmul.f32 $8.000000110e-01, v49;
	v60 =	vperm.xlane v59, v1  }
0xbc: {  	(xrf2) =	vadd.scan.msk.f32 $0xffff, v48;
	v38 =	vpop (erf);
	v42 =	vsub.f32 v58, v52;
	v47 =	vmul.f32 $1.111111160e+00, v47;
	(erf) = vpow2.f32 v51  }
0xbd: {  	v23 =	vnsel vm1, $0x0, v23;
	(xrf2) =	vadd.scan.msk.f32 $0xffff, v38;
	vm1 =	vle.f32 v57, v49;
	v51 =	vpop (erf);
	v44 =	vsub.f32 v59, v60  }
0xbe: {  	vm1 =	vmor vm1, vm0;
	v42 =	vmul.f32 $1.111111160e+00, v42;
	v61 =	vmul.f32 $1.442695020e+00, v47;
	(xrf2) =	vadd.scan.msk.f32 $0xffff, v51  }
0xbf: {  	v43 =	vmul.f32 $8.000000110e-01, v43;
	v40 =	vnsel vm1, $0x0, v40;
	v44 =	vmul.f32 $1.111111160e+00, v44  }
0xc0: {  	vm1 =	vle.f32 v39, v46;
	v42 =	vmul.f32 $1.442695020e+00, v42;
	v39 =	vpop (erf);
	(erf) = vpow2.f32 v61;
	(xrf2) =	vadd.scan.msk.f32 $0xffff, v23  }
0xc1: {  	vm1 =	vmor vm1, vm0  }
0xc2: {  	vm2 =	vle.f32 v41, v43;
	v24 =	vnsel vm1, $0x0, v24;
	v41 =	vpop (erf);
	(erf) = vpow2.f32 v42;
	(xrf2) =	vadd.scan.msk.f32 $0xffff, v40  }
0xc3: {  	vm1 =	vmor vm2, vm0;
	(xrf2) =	vadd.scan.msk.f32 $0xffff, v24;
	v62 =	vmul.f32 $1.442695020e+00, v44;
	v44 =	vpop (erf)  }
0xc4: {  	v25 =	vnsel vm1, $0x0, v25;
	v42 =	vpop (erf)  }
0xc5: {  	(xrf2) =	vadd.scan.msk.f32 $0xffff, v25;
	(erf) = vpow2.f32 v62;
	v43 =	vpop (erf)  }
0xc6: {  	v45, _, _ =	vpop (xrf2);
	(xrf2) =	vadd.scan.msk.f32 $0xffff, v43  }
0xc7: {  	v46, _, _ =	vpop (xrf2)  }
0xc8: {  	v47, _, _ =	vpop (xrf2)  }
0xc9: {  	v50 =	vpop (erf)  }
0xca: {  	v49, _, _ =	vpop (xrf2)  }
0xcb: {  	(xrf2) =	vadd.scan.msk.f32 $0xffff, v50;
	v53 =	vpop (erf)  }
0xcc: {  	v52, _, _ =	vpop (xrf2)  }
0xcd: {  	(xrf2) =	vadd.scan.msk.f32 $0xffff, v53;
	v55, _, _ =	vpop (xrf2)  }
0xce: {  	v57 =	vperm.xlane v45, v2;
	v54 =	vpop (erf)  }
0xcf: {  	v56, _, _ =	vpop (xrf2);
	(xrf2) =	vadd.scan.msk.f32 $0xffff, v54  }
0xd0: {  	v57 =	vmul.f32 $8.000000110e-01, v57;
	v58, _, _ =	vpop (xrf2)  }
0xd1: {  	v60 =	vperm.xlane v46, v2;
	v59 =	vperm.xlane v58, v2;
	_ =	sdelay $0x1  }
0xd2: {  	vm1 =	vle.f32 v45, v57;
	v59 =	vmul.f32 $8.000000110e-01, v59  }
0xd3: {  	vm1 =	vmor vm1, vm0  }
0xd4: {  	v57 =	vmul.f32 $8.000000110e-01, v60;
	v45 =	vperm.xlane v47, v2;
	v60, _, _ =	vpop (xrf2);
	vm2 =	vle.f32 v58, v59  }
0xd5: {  	v48 =	vnsel vm1, $0x0, v48;
	v63 =	vperm.xlane v60, v2;
	vm1 =	vmor vm2, vm0  }
0xd6: {  	v45 =	vmul.f32 $8.000000110e-01, v45;
	(xrf2) =	vadd.scan.msk.f32 $0xffff, v48;
	vm2 =	vle.f32 v46, v57;
	v46, _, _ =	vpop (xrf2);
	v43 =	vnsel vm1, $0x0, v43  }
0xd7: {  	v58 =	vmul.f32 $8.000000110e-01, v63;
	vm1 =	vmor vm2, vm0;
	v61 =	vperm.xlane v46, v2;
	(xrf2) =	vadd.scan.msk.f32 $0xffff, v43  }
0xd8: {  	v52 =	vperm.xlane v52, v2;
	v62, _, _ =	vpop (xrf2);
	vm2 =	vle.f32 v47, v45;
	v38 =	vnsel vm1, $0x0, v38  }
0xd9: {  	v63 =	vperm.xlane v62, v2;
	vm1 =	vle.f32 v60, v58;
	v58 =	vmul.f32 $8.000000110e-01, v61  }
0xda: {  	(erf) = vrcp.f32 v52;
	vm2 =	vmor vm2, vm0;
	vm1 =	vmor vm1, vm0  }
0xdb: {  	(xrf2) =	vadd.scan.msk.f32 $0xffff, v38;
	v51 =	vnsel vm2, $0x0, v51;
	v45 =	vmul.f32 $8.000000110e-01, v63;
	vm2 =	vle.f32 v46, v58  }
0xdc: {  	(xrf2) =	vadd.scan.msk.f32 $0xffff, v51;
	v46 =	vnsel vm1, $0x0, v50;
	vm2 =	vmor vm2, vm0  }
0xdd: {  	vm1 =	vle.f32 v62, v45;
	(xrf2) =	vadd.scan.msk.f32 $0xffff, v46;
	v45 =	vnsel vm2, $0x0, v53  }
0xde: {  	v59 =	vperm.xlane v49, v2;
	(xrf2) =	vadd.scan.msk.f32 $0xffff, v45  }
0xdf: {  	v6 =	vmul.f32 v6, v27;
	v61 =	vperm.xlane v55, v2;
	vm1 =	vmor vm1, vm0  }
0xe0: {  	v11 =	vmul.f32 v11, v37;
	(erf) = vrcp.f32 v59;
	v60, _, _ =	vpop (xrf2);
	v27 =	vnsel vm1, $0x0, v54  }
0xe1: {  	v63 =	vperm.xlane v56, v2;
	(erf) = vrcp.f32 v61;
	(xrf2) =	vadd.scan.msk.f32 $0xffff, v27;
	v62, _, _ =	vpop (xrf2)  }
0xe2: {  	v14 =	vmul.f32 v14, v36;
	(xrf1) =	vsort.ascd.msk.u32 $0xffff, v13, v6;
	v50 =	vperm.xlane v62, v2  }
0xe3: {  	(xrf1) =	vsort.ascd.msk.u32 $0xffff, v12, v11;
	v57 =	vmul.f32 v16, v41;
	(erf) = vrcp.f32 v63  }
0xe4: {  	v56 =	vpop (erf);
	v53 =	vperm.xlane v60, v2;
	(erf) = vrcp.f32 v50  }
0xe5: {  	v59 =	vmul.f32 v18, v44;
	v55 =	vmul.f32 v22, v39;
	v52, _, _ =	vpop (xrf2)  }
0xe6: {  	v54 =	vperm.xlane v52, v2;
	v58, _, _ =	vpop (xrf2);
	(erf) = vrcp.f32 v53  }
0xe7: {  	v3 =	vxor.u32 $0x80000000, v3;
	(xrf1) =	vsort.ascd.msk.u32 $0xffff, v10, v14;
	v61 =	vmul.f32 v19, v42;
	v6 =	vperm.xlane v58, v2;
	v60, _, _ =	vpop (xrf2)  }
0xe8: {  	(xrf1) =	vsort.ascd.msk.u32 $0xffff, v3, v55;
	(erf) = vrcp.f32 v54;
	v62 =	vperm.xlane v60, v2;
	v63, _, _ =	vpop (xrf2)  }
0xe9: {  	(xrf1) =	vsort.ascd.msk.u32 $0xffff, v7, v57;
	v22 =	vpop (erf);
	(erf) = vrcp.f32 v6;
	v3 =	vperm.xlane v63, v2  }
0xea: {  	v36 =	vmul.f32 v40, v56;
	(xrf1) =	vsort.ascd.msk.u32 $0xffff, v8, v59;
	v37 =	vpop (erf);
	(erf) = vrcp.f32 v62  }
0xeb: {  	(xrf1) =	vsort.ascd.msk.u32 $0xffff, v9, v61;
	v7 =	vmul.f32 v23, v22;
	v19, _, _ =	vpop (xrf2);
	(erf) = vrcp.f32 v3;
	v3 =	vxor.u32 $0x80000000, v21  }
0xec: {  	v39 =	vpop (erf);
	v6 =	vperm.xlane v19, v2;
	(xrf1) =	vsort.ascd.msk.u32 $0xffff, v3, v36;
	v3 =	vmul.f32 v24, v37  }
0xed: {  	v9 =	vmul.f32 v25, v39;
	(xrf1) =	vsort.ascd.msk.u32 $0xffff, v4, v7;
	v40 =	vpop (erf)  }
0xee: {  	(erf) = vrcp.f32 v6;
	(xrf1) =	vsort.ascd.msk.u32 $0xffff, v17, v3;
	v3 =	vmul.f32 v43, v40  }
0xef: {  	v47 =	vxor.u32 $0x80000000, v35;
	v41 =	vpop (erf);
	(xrf1) =	vsort.ascd.msk.u32 $0xffff, v5, v9  }
0xf0: {  	_, v44, _ =	vpop (xrf1);
	(xrf1) =	vsort.ascd.msk.u32 $0xffff, v47, v3;
	v3 =	vmul.f32 v48, v41  }
0xf1: {  	_, v49, _ =	vpop (xrf1)  }
0xf2: {  	v42 =	vpop (erf)  }
0xf3: {  	v50 =	vpop (erf);
	v4 =	vmul.f32 v38, v42  }
0xf4: {  	[tilespmem:s10+$0x4000] =	vst v29;
	v5 =	vmul.f32 v51, v50;
	(xrf1) =	vsort.ascd.msk.u32 $0xffff, v15, v3;
	v3 =	vpop (erf)  }
0xf5: {  	[tilespmem:s10+$0x4080] =	vst v30;
	_, v57, _ =	vpop (xrf1);
	v52 =	vxor.u32 $0x80000000, v26;
	(xrf1) =	vsort.ascd.msk.u32 $0xffff, v20, v4;
	v3 =	vmul.f32 v46, v3  }
0xf6: {  	[tilespmem:s11+$0x4180] =	vst v31;
	v54 =	vxor.u32 $0x80000000, v32;
	(xrf1) =	vsort.ascd.msk.u32 $0xffff, v52, v5;
	v53 =	vpop (erf)  }
0xf7: {  	[tilespmem:s10+$0x4100] =	vst v28;
	v55 =	vpop (erf);
	v4 =	vmul.f32 v45, v53;
	(xrf1) =	vsort.ascd.msk.u32 $0xffff, v54, v3;
	v3 =	vxor.u32 $0x80000000, v34  }
0xf8: {  	[tilespmem:s9+$0x4000] =	vst v44;
	v56 =	vxor.u32 $0x80000000, v33;
	v5 =	vmul.f32 v27, v55  }
0xf9: {  	[tilespmem:s9+$0x4080] =	vst v49;
	_, v58, _ =	vpop (xrf1);
	(xrf1) =	vsort.ascd.msk.u32 $0xffff, v56, v4  }
0xfa: {  	[tilespmem:s12+$0x4180] =	vst v58;
	_, v59, _ =	vpop (xrf1);
	(xrf1) =	vsort.ascd.msk.u32 $0xffff, v3, v5  }
0xfb: {  	[tilespmem:s9+$0x4100] =	vst v57;
	_, v3, _ =	vpop (xrf1)  }
0xfc: {  	[tilespmem:s11+$0x4000] =	vst v59;
	_, v60, _ =	vpop (xrf1)  }
0xfd: {  	[tilespmem:s11+$0x4080] =	vst v3;
	_, v61, _ =	vpop (xrf1)  }
0xfe: {  	_, v3, _ =	vpop (xrf1);
	[tilespmem:s13+$0x4180] =	vst v61  }
0xff: {  	_, v62, _ =	vpop (xrf1);
	[tilespmem:s11+$0x4100] =	vst v60  }
0x100: {  	_, v63, _ =	vpop (xrf1);
	[tilespmem:s12+$0x4000] =	vst v3  }
0x101: {  	[tilespmem:s12+$0x4080] =	vst v62;
	_, v3, _ =	vpop (xrf1)  }
0x102: {  	[tilespmem:s14+$0x4180] =	vst v3  }
0x103: {  	_, v3, _ =	vpop (xrf1);
	[tilespmem:s12+$0x4100] =	vst v63  }
0x104: {  	[tilespmem:s13+$0x4000] =	vst v3;
	_, v3, _ =	vpop (xrf1)  }
0x105: {  	[tilespmem:s13+$0x4080] =	vst v3;
	_, v3, _ =	vpop (xrf1)  }
0x106: {  	[tilespmem:s13+$0x4100] =	vst v3;
	_, v3, _ =	vpop (xrf1)  }
0x107: {  	s8 =	sadd.s32 $0x1, s8;
	[tilespmem:s14+$0x4000] =	vst v3;
	_, v3, _ =	vpop (xrf1)  }
0x108: {  	p0 =	sne.s32 s8, s5;
	[tilespmem:s14+$0x4080] =	vst v3;
	_, v3, _ =	vpop (xrf1)  }
.Ltmp1:
0x109: {  	[tilespmem:s14+$0x4100] =	vst v3;
	(pc) =	sbr.rel @p0 .LBB2_1-.Ltmp1, $4  }
0x10a: {  	[hbm4b:s4+s2] =	stream.linear.scatter [tilespmem:s7], [sflag:$0x1], $0x4000, $0x38;
	[tilespmem:$0x8000] =	vst v63  }
0x10b: {  	_ =	swait.ge [sflag:s6], $0x4000  }
0x10c: {  	[sflag:s6] =	ssyncset.done $0x0  }
0x10d: {  	[sflag:s6] =	ssyncadd.s32 $0xFFFFC000  }
0x10e: {  	_ =	sfence.sel $0x180000  }
0x10f: {  	[bflag:$0x0] =	sbarrier.arrive $0xFFFF  }
0x110: {  	p0 =	sne.s32 s1, $0x0;
	_ =	strace $0x90000047  }
0x111: {  	s0 =	sadd.s32 @!p0 $0x100000, s0;
	[bflag:$0x2] =	sbarrier.arrive $0xFFFF  }
0x112: {  	[sflag:s0] =	ssyncadd.tile.s32 @!p0 $0x1;
	_ =	shalt  }
.Lfunc_end2:
_tile_overlayer_lowered:
.L_overlay_start_2:
0x113: {  	(tag) =	ssettag $0x2  }
0x114: {  	s0 =	rddreg [dreg:$0x0];
	s2 =	stileid.u32  }
0x115: {  	s1 =	rddreg [dreg:$0x1];
	p0 =	sne.s32 s2, $0x0  }
0x116: {  	s3 =	rddreg [dreg:$0x2];
	[bflag:$0x3] =	sbarrier.arrive $0xFFFF;
	s2 =	simm.s32 @!p0 $0x1C01  }
0x117: {  	[timem:s3], [sflag:s2] =	dma.local @!p0 [hbm:s0], s1  }
0x118: {  	s0 =	simm.s32 @!p0 $0x1  }
0x119: {  	_ =	swait.ge @!p0 [sflag:s0], s1  }
0x11a: {  	s1 =	ssub.s32 @!p0 $0x0, s1;
	[sflag:s0] =	ssyncset.done @!p0 $0x0  }
0x11b: {  	[sflag:s0] =	ssyncadd.s32 @!p0 s1  }
0x11c: {  	[bflag:$0x3] =	sbarrier.arrive $0xFFFF  }
0x11d: {  	_ =	shalt  }

</sc_bundles>
